<compile_context>
chip_gen: v7x
topology: tpu7x:2x2x1
jax: 0.10.2.dev20260603
libtpu: 0.0.44.dev20260713+nightly
codegen_flags: <defaults>
</compile_context>

<pallas_src>
import jax
import jax.numpy as jnp
from jax import lax
from jax.experimental import pallas as pl
from jax.experimental.pallas import tpu as pltpu
from jax.experimental.pallas import tpu_sc as plsc

D = 128
NW = 32
CHUNK = 128
EPS = 1e-5
NGRP = D // 16
UNROLL = 2


def _body(ids_hbm, table_hbm, pos_hbm, gamma_hbm, beta_hbm, out_hbm,
          idx_all, rows2, out2, pos_v, g_v, b_v, gsem, osem_a, osem_b):
    n_chunks = ids_hbm.shape[1]
    per_w = n_chunks * CHUNK
    l_seq = pos_v.shape[0]

    wid = lax.axis_index("s") * 2 + lax.axis_index("c")
    base = wid * per_w

    pltpu.sync_copy(ids_hbm.at[wid], idx_all)
    pltpu.sync_copy(pos_hbm, pos_v)
    pltpu.sync_copy(gamma_hbm, g_v)
    pltpu.sync_copy(beta_hbm, b_v)
    g = [g_v[pl.ds(16 * j, 16)] for j in range(NGRP)]
    b = [b_v[pl.ds(16 * j, 16)] for j in range(NGRP)]
    inv_d = 1.0 / D
    perms = [jnp.arange(16, dtype=jnp.int32) ^ k for k in (1, 2, 4, 8)]

    pltpu.async_copy(table_hbm.at[idx_all.at[0]], rows2.at[0], gsem)

    def chunk_body(t, carry):
        p = t % 2
        pn = (t + 1) % 2
        rbase = base + t * CHUNK
        pltpu.make_async_copy(table_hbm.at[idx_all.at[t]], rows2.at[p], gsem).wait()

        pltpu.async_copy(table_hbm.at[idx_all.at[(t + 1) % n_chunks]],
                         rows2.at[pn], gsem)

        @pl.when(jnp.logical_and(t >= 2, p == 0))
        def _drain_a():
            pltpu.make_async_copy(out2.at[p], out_hbm.at[pl.ds(rbase, CHUNK)],
                                  osem_a).wait()

        @pl.when(jnp.logical_and(t >= 2, p == 1))
        def _drain_b():
            pltpu.make_async_copy(out2.at[p], out_hbm.at[pl.ds(rbase, CHUNK)],
                                  osem_b).wait()

        poff = (t * CHUNK) % l_seq

        @plsc.parallel_loop(0, CHUNK, unroll=UNROLL)
        def _row(i):
            pi = poff + i
            pi = jnp.where(pi >= l_seq, pi - l_seq, pi)
            x = [rows2[p, i, pl.ds(16 * j, 16)] + pos_v[pi, pl.ds(16 * j, 16)]
                 for j in range(NGRP)]
            s = ((x[0] + x[1]) + (x[2] + x[3])) + ((x[4] + x[5]) + (x[6] + x[7]))
            sq = [xj * xj for xj in x]
            q = ((sq[0] + sq[1]) + (sq[2] + sq[3])) + ((sq[4] + sq[5]) + (sq[6] + sq[7]))
            for prm in perms:
                s = s + s.at[prm].get(mode="promise_in_bounds", unique_indices=True)
                q = q + q.at[prm].get(mode="promise_in_bounds", unique_indices=True)
            m = s * inv_d
            v = q * inv_d - m * m + EPS
            iv = lax.bitcast_convert_type(v, jnp.int32)
            magic = jnp.full((16,), 0x5F3759DF, dtype=jnp.int32)
            y = lax.bitcast_convert_type(
                magic - lax.shift_right_logical(iv, 1), jnp.float32)
            hv = 0.5 * v
            y = y * (1.5 - hv * y * y)
            for j in range(NGRP):
                out2[p, i, pl.ds(16 * j, 16)] = (x[j] - m) * y * g[j] + b[j]

        @pl.when(p == 0)
        def _out_a():
            pltpu.async_copy(out2.at[p], out_hbm.at[pl.ds(rbase, CHUNK)], osem_a)

        @pl.when(p == 1)
        def _out_b():
            pltpu.async_copy(out2.at[p], out_hbm.at[pl.ds(rbase, CHUNK)], osem_b)

        return carry

    lax.fori_loop(0, n_chunks, chunk_body, 0)
    pltpu.make_async_copy(table_hbm.at[idx_all.at[0]], rows2.at[0], gsem).wait()
    pltpu.make_async_copy(out2.at[0], out_hbm.at[pl.ds(base, CHUNK)], osem_a).wait()
    pltpu.make_async_copy(out2.at[1], out_hbm.at[pl.ds(base, CHUNK)], osem_b).wait()


@jax.jit
def kernel(input_ids, token_table, pos_table, gamma, beta):
    bsz, l_seq = input_ids.shape
    n_tok = bsz * l_seq
    ids_flat = input_ids.reshape(NW, n_tok // CHUNK // NW, CHUNK)
    pos = pos_table[:l_seq]

    mesh = plsc.VectorSubcoreMesh(core_axis_name="c", subcore_axis_name="s")
    run = pl.kernel(
        _body,
        mesh=mesh,
        out_type=jax.ShapeDtypeStruct((n_tok, D), jnp.float32),
        scratch_types=[
            pltpu.VMEM((n_tok // CHUNK // NW, CHUNK), jnp.int32),
            pltpu.VMEM((2, CHUNK, D), jnp.float32),
            pltpu.VMEM((2, CHUNK, D), jnp.float32),
            pltpu.VMEM((l_seq, D), jnp.float32),
            pltpu.VMEM((D,), jnp.float32),
            pltpu.VMEM((D,), jnp.float32),
            pltpu.SemaphoreType.DMA,
            pltpu.SemaphoreType.DMA,
            pltpu.SemaphoreType.DMA,
        ],
    )
    out = run(ids_flat, token_table, pos, gamma, beta)
    return out.reshape(bsz, l_seq, D)

# --- scband reference (transcript-rebuilt; emitter-appended) ---
"""Pipeline reference for scband-token-embedding-27135603376638 (READ-ONLY COPY).

The authoritative reference and input builder live on the scoring server;
editing this copy changes nothing except your own understanding.
"""

import jax, jax.numpy as jnp
import numpy as np

VOCAB = 100000
D_MODEL = 128
MAX_SEQ_LEN = 256
B = 1024
L = 200
EPS = 1e-5


def _sinusoidal_pe(max_len, d_model):
    pos = np.arange(max_len)[:, None].astype(np.float32)
    dim = np.arange(0, d_model, 2).astype(np.float32)
    pe = np.zeros((max_len, d_model), dtype=np.float32)
    pe[:, 0::2] = np.sin(pos / 10000 ** (dim / d_model))
    pe[:, 1::2] = np.cos(pos / 10000 ** (dim / d_model))
    return jnp.asarray(pe)


def setup_inputs(seed: int = 0) -> dict:
    key = jax.random.key(seed)
    k1, k2 = jax.random.split(key, 2)
    input_ids = jax.random.randint(k1, (B, L), 0, VOCAB, dtype=jnp.int32)
    token_table = jax.random.normal(k2, (VOCAB, D_MODEL), dtype=jnp.float32) * 0.02
    # padding_idx=0: torch zero-initializes that row
    token_table = token_table.at[0].set(0.0)
    pos_table = _sinusoidal_pe(MAX_SEQ_LEN, D_MODEL)
    gamma = jnp.ones((D_MODEL,), dtype=jnp.float32)
    beta = jnp.zeros((D_MODEL,), dtype=jnp.float32)
    return {"input_ids": input_ids, "token_table": token_table, "pos_table": pos_table, "gamma": gamma, "beta": beta}


def reference(input_ids, token_table, pos_table, gamma, beta):
    # token embedding gather + positional embedding gather
    positions = jnp.arange(input_ids.shape[1], dtype=jnp.int32)
    x = jnp.take(token_table, input_ids, axis=0) + jnp.take(pos_table, positions, axis=0)[None, :, :]
    # LayerNorm (eval mode; dropout is identity)
    mu = jnp.mean(x, axis=-1, keepdims=True)
    var = jnp.mean((x - mu) ** 2, axis=-1, keepdims=True)
    y = (x - mu) / jnp.sqrt(var + EPS) * gamma + beta
    return y

if __name__ == "__main__":
    import jax
    _d = setup_inputs()
    print(jax.jit(kernel)(*tuple(_d.values())))

</pallas_src>

<mosaic_0001>
#map = affine_map<(d0, d1) -> (0, 0, 0)>
#map1 = affine_map<(d0, d1) -> (0, 0)>
#map2 = affine_map<(d0, d1) -> (0)>
module attributes {stable_mosaic.version = 14 : i64} {
  func.func @_body(%arg0: i32, %arg1: i32, %arg2: memref<32x50x128xi32, #tpu.memory_space<hbm>>, %arg3: memref<100000x128xf32, #tpu.memory_space<hbm>>, %arg4: memref<200x128xf32, #tpu.memory_space<hbm>>, %arg5: memref<128xf32, #tpu.memory_space<hbm>>, %arg6: memref<128xf32, #tpu.memory_space<hbm>>, %arg7: memref<204800x128xf32, #tpu.memory_space<hbm>>, %arg8: memref<50x128xi32, #tpu.memory_space<vmem>>, %arg9: memref<2x128x128xf32, #tpu.memory_space<vmem>>, %arg10: memref<2x128x128xf32, #tpu.memory_space<vmem>>, %arg11: memref<200x128xf32, #tpu.memory_space<vmem>>, %arg12: memref<128xf32, #tpu.memory_space<vmem>>, %arg13: memref<128xf32, #tpu.memory_space<vmem>>, %arg14: memref<!tpu.dma_semaphore, #tpu.memory_space<semaphore_mem>>, %arg15: memref<!tpu.dma_semaphore, #tpu.memory_space<semaphore_mem>>, %arg16: memref<!tpu.dma_semaphore, #tpu.memory_space<semaphore_mem>>) attributes {dimension_semantics = [#tpu.dimension_semantics<core_parallel>, #tpu.dimension_semantics<subcore_parallel>], iteration_bounds = array<i64: 2, 16>, scalar_prefetch = 0 : i64, scratch_operands = 9 : i64, tpu.core_type = #tpu.core_type<sc_vector_subcore>, window_params = [{transform_indices = #map}, {transform_indices = #map1}, {transform_indices = #map1}, {transform_indices = #map2}, {transform_indices = #map2}, {transform_indices = #map1}]} {
    %mul3A = arith.constant 2 : i32
    %mul3A_0 = arith.muli %arg1, %mul3A : i32
    %add3A = arith.addi %mul3A_0, %arg0 : i32
    %mul3A_1 = arith.constant 6400 : i32
    %mul3A_2 = arith.muli %add3A, %mul3A_1 : i32
    "tpu.region"() ({
      %run_scoped3A = tpu.sem_alloc : memref<!tpu.dma_semaphore, #tpu.memory_space<semaphore_mem>>
      %dma_start3A_117 = arith.constant 0 : i32
      %dma_start3A_118 = arith.constant 0 : i32
      %dma_start3A_119 = tpu.memref_slice %arg2[%add3A, %dma_start3A_117, %dma_start3A_118] : memref<32x50x128xi32, #tpu.memory_space<hbm>> -> memref<1x50x128xi32, #tpu.memory_space<hbm>>
      %dma_start3A_120 = tpu.memref_squeeze %dma_start3A_119 : memref<1x50x128xi32, #tpu.memory_space<hbm>> -> memref<50x128xi32, #tpu.memory_space<hbm>>
      %dma_start3A_121 = arith.constant 0 : i32
      %dma_start3A_122 = arith.constant 0 : i32
      %dma_start3A_123 = tpu.memref_slice %arg2[%add3A, %dma_start3A_121, %dma_start3A_122] : memref<32x50x128xi32, #tpu.memory_space<hbm>> -> memref<1x50x128xi32, #tpu.memory_space<hbm>>
      %dma_start3A_124 = tpu.memref_squeeze %dma_start3A_123 : memref<1x50x128xi32, #tpu.memory_space<hbm>> -> memref<50x128xi32, #tpu.memory_space<hbm>>
      tpu.enqueue_dma source(%dma_start3A_124 : memref<50x128xi32, #tpu.memory_space<hbm>>) target(%arg8 : memref<50x128xi32, #tpu.memory_space<vmem>>) target_semaphore(%run_scoped3A : memref<!tpu.dma_semaphore, #tpu.memory_space<semaphore_mem>>)
      %dma_wait3A_125 = arith.constant 0 : i32
      %dma_wait3A_126 = arith.constant 0 : i32
      %dma_wait3A_127 = tpu.memref_slice %arg2[%add3A, %dma_wait3A_125, %dma_wait3A_126] : memref<32x50x128xi32, #tpu.memory_space<hbm>> -> memref<1x50x128xi32, #tpu.memory_space<hbm>>
      %dma_wait3A_128 = tpu.memref_squeeze %dma_wait3A_127 : memref<1x50x128xi32, #tpu.memory_space<hbm>> -> memref<50x128xi32, #tpu.memory_space<hbm>>
      %dma_wait3A_129 = arith.constant 0 : i32
      %dma_wait3A_130 = arith.constant 0 : i32
      %dma_wait3A_131 = tpu.memref_slice %arg2[%add3A, %dma_wait3A_129, %dma_wait3A_130] : memref<32x50x128xi32, #tpu.memory_space<hbm>> -> memref<1x50x128xi32, #tpu.memory_space<hbm>>
      %dma_wait3A_132 = tpu.memref_squeeze %dma_wait3A_131 : memref<1x50x128xi32, #tpu.memory_space<hbm>> -> memref<50x128xi32, #tpu.memory_space<hbm>>
      tpu.wait_dma2 semaphore(%run_scoped3A : memref<!tpu.dma_semaphore, #tpu.memory_space<semaphore_mem>>) src(%dma_wait3A_132 : memref<50x128xi32, #tpu.memory_space<hbm>>) dst(%arg8 : memref<50x128xi32, #tpu.memory_space<vmem>>)
      tpu.yield
    }) : () -> ()
    "tpu.region"() ({
      %run_scoped3A = tpu.sem_alloc : memref<!tpu.dma_semaphore, #tpu.memory_space<semaphore_mem>>
      tpu.enqueue_dma source(%arg4 : memref<200x128xf32, #tpu.memory_space<hbm>>) target(%arg11 : memref<200x128xf32, #tpu.memory_space<vmem>>) target_semaphore(%run_scoped3A : memref<!tpu.dma_semaphore, #tpu.memory_space<semaphore_mem>>)
      tpu.wait_dma2 semaphore(%run_scoped3A : memref<!tpu.dma_semaphore, #tpu.memory_space<semaphore_mem>>) src(%arg4 : memref<200x128xf32, #tpu.memory_space<hbm>>) dst(%arg11 : memref<200x128xf32, #tpu.memory_space<vmem>>)
      tpu.yield
    }) : () -> ()
    "tpu.region"() ({
      %run_scoped3A = tpu.sem_alloc : memref<!tpu.dma_semaphore, #tpu.memory_space<semaphore_mem>>
      tpu.enqueue_dma source(%arg5 : memref<128xf32, #tpu.memory_space<hbm>>) target(%arg12 : memref<128xf32, #tpu.memory_space<vmem>>) target_semaphore(%run_scoped3A : memref<!tpu.dma_semaphore, #tpu.memory_space<semaphore_mem>>)
      tpu.wait_dma2 semaphore(%run_scoped3A : memref<!tpu.dma_semaphore, #tpu.memory_space<semaphore_mem>>) src(%arg5 : memref<128xf32, #tpu.memory_space<hbm>>) dst(%arg12 : memref<128xf32, #tpu.memory_space<vmem>>)
      tpu.yield
    }) : () -> ()
    "tpu.region"() ({
      %run_scoped3A = tpu.sem_alloc : memref<!tpu.dma_semaphore, #tpu.memory_space<semaphore_mem>>
      tpu.enqueue_dma source(%arg6 : memref<128xf32, #tpu.memory_space<hbm>>) target(%arg13 : memref<128xf32, #tpu.memory_space<vmem>>) target_semaphore(%run_scoped3A : memref<!tpu.dma_semaphore, #tpu.memory_space<semaphore_mem>>)
      tpu.wait_dma2 semaphore(%run_scoped3A : memref<!tpu.dma_semaphore, #tpu.memory_space<semaphore_mem>>) src(%arg6 : memref<128xf32, #tpu.memory_space<hbm>>) dst(%arg13 : memref<128xf32, #tpu.memory_space<vmem>>)
      tpu.yield
    }) : () -> ()
    %get3A = arith.constant 0 : index
    %get3A_3 = tpu.vector_load %arg12[%get3A] {strides = array<i32>} : memref<128xf32, #tpu.memory_space<vmem>>, vector<16xf32>,
    %get3A_4 = vector.shape_cast %get3A_3 : vector<16xf32> to vector<16xf32>
    %get3A_5 = arith.constant 16 : index
    %get3A_6 = tpu.vector_load %arg12[%get3A_5] {strides = array<i32>} : memref<128xf32, #tpu.memory_space<vmem>>, vector<16xf32>,
    %get3A_7 = vector.shape_cast %get3A_6 : vector<16xf32> to vector<16xf32>
    %get3A_8 = arith.constant 32 : index
    %get3A_9 = tpu.vector_load %arg12[%get3A_8] {strides = array<i32>} : memref<128xf32, #tpu.memory_space<vmem>>, vector<16xf32>,
    %get3A_10 = vector.shape_cast %get3A_9 : vector<16xf32> to vector<16xf32>
    %get3A_11 = arith.constant 48 : index
    %get3A_12 = tpu.vector_load %arg12[%get3A_11] {strides = array<i32>} : memref<128xf32, #tpu.memory_space<vmem>>, vector<16xf32>,
    %get3A_13 = vector.shape_cast %get3A_12 : vector<16xf32> to vector<16xf32>
    %get3A_14 = arith.constant 64 : index
    %get3A_15 = tpu.vector_load %arg12[%get3A_14] {strides = array<i32>} : memref<128xf32, #tpu.memory_space<vmem>>, vector<16xf32>,
    %get3A_16 = vector.shape_cast %get3A_15 : vector<16xf32> to vector<16xf32>
    %get3A_17 = arith.constant 80 : index
    %get3A_18 = tpu.vector_load %arg12[%get3A_17] {strides = array<i32>} : memref<128xf32, #tpu.memory_space<vmem>>, vector<16xf32>,
    %get3A_19 = vector.shape_cast %get3A_18 : vector<16xf32> to vector<16xf32>
    %get3A_20 = arith.constant 96 : index
    %get3A_21 = tpu.vector_load %arg12[%get3A_20] {strides = array<i32>} : memref<128xf32, #tpu.memory_space<vmem>>, vector<16xf32>,
    %get3A_22 = vector.shape_cast %get3A_21 : vector<16xf32> to vector<16xf32>
    %get3A_23 = arith.constant 112 : index
    %get3A_24 = tpu.vector_load %arg12[%get3A_23] {strides = array<i32>} : memref<128xf32, #tpu.memory_space<vmem>>, vector<16xf32>,
    %get3A_25 = vector.shape_cast %get3A_24 : vector<16xf32> to vector<16xf32>
    %get3A_26 = arith.constant 0 : index
    %get3A_27 = tpu.vector_load %arg13[%get3A_26] {strides = array<i32>} : memref<128xf32, #tpu.memory_space<vmem>>, vector<16xf32>,
    %get3A_28 = vector.shape_cast %get3A_27 : vector<16xf32> to vector<16xf32>
    %get3A_29 = arith.constant 16 : index
    %get3A_30 = tpu.vector_load %arg13[%get3A_29] {strides = array<i32>} : memref<128xf32, #tpu.memory_space<vmem>>, vector<16xf32>,
    %get3A_31 = vector.shape_cast %get3A_30 : vector<16xf32> to vector<16xf32>
    %get3A_32 = arith.constant 32 : index
    %get3A_33 = tpu.vector_load %arg13[%get3A_32] {strides = array<i32>} : memref<128xf32, #tpu.memory_space<vmem>>, vector<16xf32>,
    %get3A_34 = vector.shape_cast %get3A_33 : vector<16xf32> to vector<16xf32>
    %get3A_35 = arith.constant 48 : index
    %get3A_36 = tpu.vector_load %arg13[%get3A_35] {strides = array<i32>} : memref<128xf32, #tpu.memory_space<vmem>>, vector<16xf32>,
    %get3A_37 = vector.shape_cast %get3A_36 : vector<16xf32> to vector<16xf32>
    %get3A_38 = arith.constant 64 : index
    %get3A_39 = tpu.vector_load %arg13[%get3A_38] {strides = array<i32>} : memref<128xf32, #tpu.memory_space<vmem>>, vector<16xf32>,
    %get3A_40 = vector.shape_cast %get3A_39 : vector<16xf32> to vector<16xf32>
    %get3A_41 = arith.constant 80 : index
    %get3A_42 = tpu.vector_load %arg13[%get3A_41] {strides = array<i32>} : memref<128xf32, #tpu.memory_space<vmem>>, vector<16xf32>,
    %get3A_43 = vector.shape_cast %get3A_42 : vector<16xf32> to vector<16xf32>
    %get3A_44 = arith.constant 96 : index
    %get3A_45 = tpu.vector_load %arg13[%get3A_44] {strides = array<i32>} : memref<128xf32, #tpu.memory_space<vmem>>, vector<16xf32>,
    %get3A_46 = vector.shape_cast %get3A_45 : vector<16xf32> to vector<16xf32>
    %get3A_47 = arith.constant 112 : index
    %get3A_48 = tpu.vector_load %arg13[%get3A_47] {strides = array<i32>} : memref<128xf32, #tpu.memory_space<vmem>>, vector<16xf32>,
    %get3A_49 = vector.shape_cast %get3A_48 : vector<16xf32> to vector<16xf32>
    %iota3A = tpu.iota {dimensions = array<i32: 0>} : vector<16xi32>
    %xor3A = arith.constant 1 : i32
    %xor3A_50 = vector.broadcast %xor3A : i32 to vector<16xi32>
    %xor3A_51 = arith.xori %iota3A, %xor3A_50 : vector<16xi32>
    %iota3A_52 = tpu.iota {dimensions = array<i32: 0>} : vector<16xi32>
    %xor3A_53 = arith.constant 2 : i32
    %xor3A_54 = vector.broadcast %xor3A_53 : i32 to vector<16xi32>
    %xor3A_55 = arith.xori %iota3A_52, %xor3A_54 : vector<16xi32>
    %iota3A_56 = tpu.iota {dimensions = array<i32: 0>} : vector<16xi32>
    %xor3A_57 = arith.constant 4 : i32
    %xor3A_58 = vector.broadcast %xor3A_57 : i32 to vector<16xi32>
    %xor3A_59 = arith.xori %iota3A_56, %xor3A_58 : vector<16xi32>
    %iota3A_60 = tpu.iota {dimensions = array<i32: 0>} : vector<16xi32>
    %xor3A_61 = arith.constant 8 : i32
    %xor3A_62 = vector.broadcast %xor3A_61 : i32 to vector<16xi32>
    %xor3A_63 = arith.xori %iota3A_60, %xor3A_62 : vector<16xi32>
    %dma_start3A = arith.constant 0 : i32
    %dma_start3A_64 = arith.constant 0 : i32
    %dma_start3A_65 = arith.constant 0 : i32
    %dma_start3A_66 = arith.constant 0 : i32
    %dma_start3A_67 = tpu.memref_slice %arg9[%dma_start3A_64, %dma_start3A_65, %dma_start3A_66] : memref<2x128x128xf32, #tpu.memory_space<vmem>> -> memref<1x128x128xf32, #tpu.memory_space<vmem>>
    %dma_start3A_68 = tpu.memref_squeeze %dma_start3A_67 : memref<1x128x128xf32, #tpu.memory_space<vmem>> -> memref<128x128xf32, #tpu.memory_space<vmem>>
    %dma_start3A_69 = arith.constant 0 : i32
    %dma_start3A_70 = tpu.memref_slice %arg8[%dma_start3A, %dma_start3A_69] : memref<50x128xi32, #tpu.memory_space<vmem>> -> memref<1x128xi32, #tpu.memory_space<vmem>>
    %dma_start3A_71 = tpu.memref_squeeze %dma_start3A_70 : memref<1x128xi32, #tpu.memory_space<vmem>> -> memref<128xi32, #tpu.memory_space<vmem>>
    %dma_start3A_72 = arith.constant 0 : i32
    %dma_start3A_73 = arith.constant 0 : i32
    %dma_start3A_74 = tpu.memref_slice %arg3[%dma_start3A_72, %dma_start3A_73] : memref<100000x128xf32, #tpu.memory_space<hbm>> -> memref<100000x128xf32, #tpu.memory_space<hbm>>
    tpu.enqueue_indirect_dma source(%dma_start3A_74 : memref<100000x128xf32, #tpu.memory_space<hbm>>) target(%dma_start3A_68 : memref<128x128xf32, #tpu.memory_space<vmem>>) offsets(%dma_start3A_71 : memref<128xi32, #tpu.memory_space<vmem>>) semaphore(%arg14 : memref<!tpu.dma_semaphore, #tpu.memory_space<semaphore_mem>>)
    %scan3A = arith.constant 0 : i32
    %scan3A_75 = arith.constant 0 : i32
    %scan3A_76 = arith.constant 50 : i32
    %scan3A_77 = arith.addi %scan3A_75, %scan3A_76 : i32
    %scan3A_78 = arith.constant 1 : i32
    scf.for %scan3A_117 = %scan3A_75 to %scan3A_77 step %scan3A_78  : i32 {
      %jit3A = arith.constant 2 : i32
      %eq3A = arith.constant 0 : i32
      %eq3A_118 = arith.cmpi eq, %jit3A, %eq3A : i32
      %jit3A_119 = arith.constant 1 : i32
      %select_n3A = arith.select %eq3A_118, %jit3A_119, %jit3A : i32
      %rem3A = arith.remsi %scan3A_117, %select_n3A : i32
      %ne3A = arith.constant 0 : i32
      %ne3A_120 = arith.cmpi ne, %rem3A, %ne3A : i32
      %lt3A = arith.constant 0 : i32
      %lt3A_121 = arith.cmpi slt, %rem3A, %lt3A : i32
      %lt3A_122 = arith.constant 0 : i32
      %lt3A_123 = arith.cmpi slt, %select_n3A, %lt3A_122 : i32
      %ne3A_124 = arith.xori %lt3A_121, %lt3A_123 : i1
      %and3A = arith.andi %ne3A_124, %ne3A_120 : i1
      %add3A_125 = arith.addi %rem3A, %select_n3A : i32
      %select_n3A_126 = arith.select %and3A, %add3A_125, %rem3A : i32
      %add3A_127 = arith.constant 1 : i32
      %add3A_128 = arith.addi %scan3A_117, %add3A_127 : i32
      %jit3A_129 = arith.constant 2 : i32
      %eq3A_130 = arith.constant 0 : i32
      %eq3A_131 = arith.cmpi eq, %jit3A_129, %eq3A_130 : i32
      %jit3A_132 = arith.constant 1 : i32
      %select_n3A_133 = arith.select %eq3A_131, %jit3A_132, %jit3A_129 : i32
      %rem3A_134 = arith.remsi %add3A_128, %select_n3A_133 : i32
      %ne3A_135 = arith.constant 0 : i32
      %ne3A_136 = arith.cmpi ne, %rem3A_134, %ne3A_135 : i32
      %lt3A_137 = arith.constant 0 : i32
      %lt3A_138 = arith.cmpi slt, %rem3A_134, %lt3A_137 : i32
      %lt3A_139 = arith.constant 0 : i32
      %lt3A_140 = arith.cmpi slt, %select_n3A_133, %lt3A_139 : i32
      %ne3A_141 = arith.xori %lt3A_138, %lt3A_140 : i1
      %and3A_142 = arith.andi %ne3A_141, %ne3A_136 : i1
      %add3A_143 = arith.addi %rem3A_134, %select_n3A_133 : i32
      %select_n3A_144 = arith.select %and3A_142, %add3A_143, %rem3A_134 : i32
      %mul3A_145 = arith.constant 128 : i32
      %mul3A_146 = arith.muli %scan3A_117, %mul3A_145 : i32
      %add3A_147 = arith.addi %mul3A_2, %mul3A_146 : i32
      %dma_wait3A_148 = arith.constant 0 : i32
      %dma_wait3A_149 = arith.constant 0 : i32
      %dma_wait3A_150 = tpu.memref_slice %arg9[%select_n3A_126, %dma_wait3A_148, %dma_wait3A_149] : memref<2x128x128xf32, #tpu.memory_space<vmem>> -> memref<1x128x128xf32, #tpu.memory_space<vmem>>
      %dma_wait3A_151 = tpu.memref_squeeze %dma_wait3A_150 : memref<1x128x128xf32, #tpu.memory_space<vmem>> -> memref<128x128xf32, #tpu.memory_space<vmem>>
      %dma_wait3A_152 = arith.constant 0 : i32
      %dma_wait3A_153 = tpu.memref_slice %arg8[%scan3A_117, %dma_wait3A_152] : memref<50x128xi32, #tpu.memory_space<vmem>> -> memref<1x128xi32, #tpu.memory_space<vmem>>
      %dma_wait3A_154 = tpu.memref_squeeze %dma_wait3A_153 : memref<1x128xi32, #tpu.memory_space<vmem>> -> memref<128xi32, #tpu.memory_space<vmem>>
      %dma_wait3A_155 = arith.constant 0 : i32
      %dma_wait3A_156 = arith.constant 0 : i32
      %dma_wait3A_157 = tpu.memref_slice %arg3[%dma_wait3A_155, %dma_wait3A_156] : memref<100000x128xf32, #tpu.memory_space<hbm>> -> memref<100000x128xf32, #tpu.memory_space<hbm>>
      tpu.wait_indirect_dma semaphore(%arg14 : memref<!tpu.dma_semaphore, #tpu.memory_space<semaphore_mem>>) src(%dma_wait3A_157 : memref<100000x128xf32, #tpu.memory_space<hbm>>) dst(%dma_wait3A_151 : memref<128x128xf32, #tpu.memory_space<vmem>>)
      %add3A_158 = arith.constant 1 : i32
      %add3A_159 = arith.addi %scan3A_117, %add3A_158 : i32
      %jit3A_160 = arith.constant 50 : i32
      %eq3A_161 = arith.constant 0 : i32
      %eq3A_162 = arith.cmpi eq, %jit3A_160, %eq3A_161 : i32
      %jit3A_163 = arith.constant 1 : i32
      %select_n3A_164 = arith.select %eq3A_162, %jit3A_163, %jit3A_160 : i32
      %rem3A_165 = arith.remsi %add3A_159, %select_n3A_164 : i32
      %ne3A_166 = arith.constant 0 : i32
      %ne3A_167 = arith.cmpi ne, %rem3A_165, %ne3A_166 : i32
      %lt3A_168 = arith.constant 0 : i32
      %lt3A_169 = arith.cmpi slt, %rem3A_165, %lt3A_168 : i32
      %lt3A_170 = arith.constant 0 : i32
      %lt3A_171 = arith.cmpi slt, %select_n3A_164, %lt3A_170 : i32
      %ne3A_172 = arith.xori %lt3A_169, %lt3A_171 : i1
      %and3A_173 = arith.andi %ne3A_172, %ne3A_167 : i1
      %add3A_174 = arith.addi %rem3A_165, %select_n3A_164 : i32
      %select_n3A_175 = arith.select %and3A_173, %add3A_174, %rem3A_165 : i32
      %dma_start3A_176 = arith.constant 0 : i32
      %dma_start3A_177 = arith.constant 0 : i32
      %dma_start3A_178 = tpu.memref_slice %arg9[%select_n3A_144, %dma_start3A_176, %dma_start3A_177] : memref<2x128x128xf32, #tpu.memory_space<vmem>> -> memref<1x128x128xf32, #tpu.memory_space<vmem>>
      %dma_start3A_179 = tpu.memref_squeeze %dma_start3A_178 : memref<1x128x128xf32, #tpu.memory_space<vmem>> -> memref<128x128xf32, #tpu.memory_space<vmem>>
      %dma_start3A_180 = arith.constant 0 : i32
      %dma_start3A_181 = tpu.memref_slice %arg8[%select_n3A_175, %dma_start3A_180] : memref<50x128xi32, #tpu.memory_space<vmem>> -> memref<1x128xi32, #tpu.memory_space<vmem>>
      %dma_start3A_182 = tpu.memref_squeeze %dma_start3A_181 : memref<1x128xi32, #tpu.memory_space<vmem>> -> memref<128xi32, #tpu.memory_space<vmem>>
      %dma_start3A_183 = arith.constant 0 : i32
      %dma_start3A_184 = arith.constant 0 : i32
      %dma_start3A_185 = tpu.memref_slice %arg3[%dma_start3A_183, %dma_start3A_184] : memref<100000x128xf32, #tpu.memory_space<hbm>> -> memref<100000x128xf32, #tpu.memory_space<hbm>>
      tpu.enqueue_indirect_dma source(%dma_start3A_185 : memref<100000x128xf32, #tpu.memory_space<hbm>>) target(%dma_start3A_179 : memref<128x128xf32, #tpu.memory_space<vmem>>) offsets(%dma_start3A_182 : memref<128xi32, #tpu.memory_space<vmem>>) semaphore(%arg14 : memref<!tpu.dma_semaphore, #tpu.memory_space<semaphore_mem>>)
      %ge3A = arith.constant 2 : i32
      %ge3A_186 = arith.cmpi sge, %scan3A_117, %ge3A : i32
      %eq3A_187 = arith.constant 0 : i32
      %eq3A_188 = arith.cmpi eq, %select_n3A_126, %eq3A_187 : i32
      %and3A_189 = arith.andi %ge3A_186, %eq3A_188 : i1
      %convert_element_type3A = arith.extui %and3A_189 : i1 to i32
      %cond3A = arith.constant 0 : i32
      %cond3A_190 = arith.cmpi ne, %convert_element_type3A, %cond3A : i32
      scf.if %cond3A_190 {
        %dma_wait3A_229 = arith.constant 0 : i32
        %dma_wait3A_230 = arith.constant 0 : i32
        %dma_wait3A_231 = tpu.memref_slice %arg10[%select_n3A_126, %dma_wait3A_229, %dma_wait3A_230] : memref<2x128x128xf32, #tpu.memory_space<vmem>> -> memref<1x128x128xf32, #tpu.memory_space<vmem>>
        %dma_wait3A_232 = tpu.memref_squeeze %dma_wait3A_231 : memref<1x128x128xf32, #tpu.memory_space<vmem>> -> memref<128x128xf32, #tpu.memory_space<vmem>>
        %dma_wait3A_233 = arith.constant 0 : i32
        %dma_wait3A_234 = tpu.memref_slice %arg7[%add3A_147, %dma_wait3A_233] : memref<204800x128xf32, #tpu.memory_space<hbm>> -> memref<128x128xf32, #tpu.memory_space<hbm>>
        %dma_wait3A_235 = arith.constant 0 : i32
        %dma_wait3A_236 = tpu.memref_slice %arg7[%add3A_147, %dma_wait3A_235] : memref<204800x128xf32, #tpu.memory_space<hbm>> -> memref<128x128xf32, #tpu.memory_space<hbm>>
        %dma_wait3A_237 = arith.constant 0 : i32
        %dma_wait3A_238 = arith.constant 0 : i32
        %dma_wait3A_239 = tpu.memref_slice %arg10[%select_n3A_126, %dma_wait3A_237, %dma_wait3A_238] : memref<2x128x128xf32, #tpu.memory_space<vmem>> -> memref<1x128x128xf32, #tpu.memory_space<vmem>>
        %dma_wait3A_240 = tpu.memref_squeeze %dma_wait3A_239 : memref<1x128x128xf32, #tpu.memory_space<vmem>> -> memref<128x128xf32, #tpu.memory_space<vmem>>
        tpu.wait_dma2 semaphore(%arg15 : memref<!tpu.dma_semaphore, #tpu.memory_space<semaphore_mem>>) src(%dma_wait3A_240 : memref<128x128xf32, #tpu.memory_space<vmem>>) dst(%dma_wait3A_236 : memref<128x128xf32, #tpu.memory_space<hbm>>)
      } else {
      }
      %ge3A_191 = arith.constant 2 : i32
      %ge3A_192 = arith.cmpi sge, %scan3A_117, %ge3A_191 : i32
      %eq3A_193 = arith.constant 1 : i32
      %eq3A_194 = arith.cmpi eq, %select_n3A_126, %eq3A_193 : i32
      %and3A_195 = arith.andi %ge3A_192, %eq3A_194 : i1
      %convert_element_type3A_196 = arith.extui %and3A_195 : i1 to i32
      %cond3A_197 = arith.constant 0 : i32
      %cond3A_198 = arith.cmpi ne, %convert_element_type3A_196, %cond3A_197 : i32
      scf.if %cond3A_198 {
        %dma_wait3A_229 = arith.constant 0 : i32
        %dma_wait3A_230 = arith.constant 0 : i32
        %dma_wait3A_231 = tpu.memref_slice %arg10[%select_n3A_126, %dma_wait3A_229, %dma_wait3A_230] : memref<2x128x128xf32, #tpu.memory_space<vmem>> -> memref<1x128x128xf32, #tpu.memory_space<vmem>>
        %dma_wait3A_232 = tpu.memref_squeeze %dma_wait3A_231 : memref<1x128x128xf32, #tpu.memory_space<vmem>> -> memref<128x128xf32, #tpu.memory_space<vmem>>
        %dma_wait3A_233 = arith.constant 0 : i32
        %dma_wait3A_234 = tpu.memref_slice %arg7[%add3A_147, %dma_wait3A_233] : memref<204800x128xf32, #tpu.memory_space<hbm>> -> memref<128x128xf32, #tpu.memory_space<hbm>>
        %dma_wait3A_235 = arith.constant 0 : i32
        %dma_wait3A_236 = tpu.memref_slice %arg7[%add3A_147, %dma_wait3A_235] : memref<204800x128xf32, #tpu.memory_space<hbm>> -> memref<128x128xf32, #tpu.memory_space<hbm>>
        %dma_wait3A_237 = arith.constant 0 : i32
        %dma_wait3A_238 = arith.constant 0 : i32
        %dma_wait3A_239 = tpu.memref_slice %arg10[%select_n3A_126, %dma_wait3A_237, %dma_wait3A_238] : memref<2x128x128xf32, #tpu.memory_space<vmem>> -> memref<1x128x128xf32, #tpu.memory_space<vmem>>
        %dma_wait3A_240 = tpu.memref_squeeze %dma_wait3A_239 : memref<1x128x128xf32, #tpu.memory_space<vmem>> -> memref<128x128xf32, #tpu.memory_space<vmem>>
        tpu.wait_dma2 semaphore(%arg16 : memref<!tpu.dma_semaphore, #tpu.memory_space<semaphore_mem>>) src(%dma_wait3A_240 : memref<128x128xf32, #tpu.memory_space<vmem>>) dst(%dma_wait3A_236 : memref<128x128xf32, #tpu.memory_space<hbm>>)
      } else {
      }
      %mul3A_199 = arith.constant 128 : i32
      %mul3A_200 = arith.muli %scan3A_117, %mul3A_199 : i32
      %jit3A_201 = arith.constant 200 : i32
      %eq3A_202 = arith.constant 0 : i32
      %eq3A_203 = arith.cmpi eq, %jit3A_201, %eq3A_202 : i32
      %jit3A_204 = arith.constant 1 : i32
      %select_n3A_205 = arith.select %eq3A_203, %jit3A_204, %jit3A_201 : i32
      %rem3A_206 = arith.remsi %mul3A_200, %select_n3A_205 : i32
      %ne3A_207 = arith.constant 0 : i32
      %ne3A_208 = arith.cmpi ne, %rem3A_206, %ne3A_207 : i32
      %lt3A_209 = arith.constant 0 : i32
      %lt3A_210 = arith.cmpi slt, %rem3A_206, %lt3A_209 : i32
      %lt3A_211 = arith.constant 0 : i32
      %lt3A_212 = arith.cmpi slt, %select_n3A_205, %lt3A_211 : i32
      %ne3A_213 = arith.xori %lt3A_210, %lt3A_212 : i1
      %and3A_214 = arith.andi %ne3A_213, %ne3A_208 : i1
      %add3A_215 = arith.addi %rem3A_206, %select_n3A_205 : i32
      %select_n3A_216 = arith.select %and3A_214, %add3A_215, %rem3A_206 : i32
      %parallel_loop3A = arith.constant 0 : i32
      %parallel_loop3A_217 = arith.constant 128 : i32
      %parallel_loop3A_218 = arith.constant 1 : i32
      scf.for %parallel_loop3A_229 = %parallel_loop3A to %parallel_loop3A_217 step %parallel_loop3A_218  : i32 {
        %parallel_loop3A_230 = arith.addi %select_n3A_216, %parallel_loop3A_229 : i32
        %parallel_loop3A_231 = arith.constant 200 : i32
        %parallel_loop3A_232 = arith.cmpi sge, %parallel_loop3A_230, %parallel_loop3A_231 : i32
        %parallel_loop3A_233 = arith.constant 200 : i32
        %parallel_loop3A_234 = arith.subi %parallel_loop3A_230, %parallel_loop3A_233 : i32
        %parallel_loop3A_235 = arith.select %parallel_loop3A_232, %parallel_loop3A_234, %parallel_loop3A_230 : i32
        %parallel_loop3A_236 = arith.index_cast %select_n3A_126 : i32 to index
        %parallel_loop3A_237 = arith.index_cast %parallel_loop3A_229 : i32 to index
        %parallel_loop3A_238 = arith.constant 0 : index
        %parallel_loop3A_239 = tpu.vector_load %arg9[%parallel_loop3A_236, %parallel_loop3A_237, %parallel_loop3A_238] {strides = array<i32>} : memref<2x128x128xf32, #tpu.memory_space<vmem>>, vector<1x1x16xf32>,
        %parallel_loop3A_240 = vector.shape_cast %parallel_loop3A_239 : vector<1x1x16xf32> to vector<16xf32>
        %parallel_loop3A_241 = arith.index_cast %parallel_loop3A_235 : i32 to index
        %parallel_loop3A_242 = arith.constant 0 : index
        %parallel_loop3A_243 = tpu.vector_load %arg11[%parallel_loop3A_241, %parallel_loop3A_242] {strides = array<i32>} : memref<200x128xf32, #tpu.memory_space<vmem>>, vector<1x16xf32>,
        %parallel_loop3A_244 = vector.shape_cast %parallel_loop3A_243 : vector<1x16xf32> to vector<16xf32>
        %parallel_loop3A_245 = arith.addf %parallel_loop3A_240, %parallel_loop3A_244 : vector<16xf32>
        %parallel_loop3A_246 = arith.index_cast %select_n3A_126 : i32 to index
        %parallel_loop3A_247 = arith.index_cast %parallel_loop3A_229 : i32 to index
        %parallel_loop3A_248 = arith.constant 16 : index
        %parallel_loop3A_249 = tpu.vector_load %arg9[%parallel_loop3A_246, %parallel_loop3A_247, %parallel_loop3A_248] {strides = array<i32>} : memref<2x128x128xf32, #tpu.memory_space<vmem>>, vector<1x1x16xf32>,
        %parallel_loop3A_250 = vector.shape_cast %parallel_loop3A_249 : vector<1x1x16xf32> to vector<16xf32>
        %parallel_loop3A_251 = arith.index_cast %parallel_loop3A_235 : i32 to index
        %parallel_loop3A_252 = arith.constant 16 : index
        %parallel_loop3A_253 = tpu.vector_load %arg11[%parallel_loop3A_251, %parallel_loop3A_252] {strides = array<i32>} : memref<200x128xf32, #tpu.memory_space<vmem>>, vector<1x16xf32>,
        %parallel_loop3A_254 = vector.shape_cast %parallel_loop3A_253 : vector<1x16xf32> to vector<16xf32>
        %parallel_loop3A_255 = arith.addf %parallel_loop3A_250, %parallel_loop3A_254 : vector<16xf32>
        %parallel_loop3A_256 = arith.index_cast %select_n3A_126 : i32 to index
        %parallel_loop3A_257 = arith.index_cast %parallel_loop3A_229 : i32 to index
        %parallel_loop3A_258 = arith.constant 32 : index
        %parallel_loop3A_259 = tpu.vector_load %arg9[%parallel_loop3A_256, %parallel_loop3A_257, %parallel_loop3A_258] {strides = array<i32>} : memref<2x128x128xf32, #tpu.memory_space<vmem>>, vector<1x1x16xf32>,
        %parallel_loop3A_260 = vector.shape_cast %parallel_loop3A_259 : vector<1x1x16xf32> to vector<16xf32>
        %parallel_loop3A_261 = arith.index_cast %parallel_loop3A_235 : i32 to index
        %parallel_loop3A_262 = arith.constant 32 : index
        %parallel_loop3A_263 = tpu.vector_load %arg11[%parallel_loop3A_261, %parallel_loop3A_262] {strides = array<i32>} : memref<200x128xf32, #tpu.memory_space<vmem>>, vector<1x16xf32>,
        %parallel_loop3A_264 = vector.shape_cast %parallel_loop3A_263 : vector<1x16xf32> to vector<16xf32>
        %parallel_loop3A_265 = arith.addf %parallel_loop3A_260, %parallel_loop3A_264 : vector<16xf32>
        %parallel_loop3A_266 = arith.index_cast %select_n3A_126 : i32 to index
        %parallel_loop3A_267 = arith.index_cast %parallel_loop3A_229 : i32 to index
        %parallel_loop3A_268 = arith.constant 48 : index
        %parallel_loop3A_269 = tpu.vector_load %arg9[%parallel_loop3A_266, %parallel_loop3A_267, %parallel_loop3A_268] {strides = array<i32>} : memref<2x128x128xf32, #tpu.memory_space<vmem>>, vector<1x1x16xf32>,
        %parallel_loop3A_270 = vector.shape_cast %parallel_loop3A_269 : vector<1x1x16xf32> to vector<16xf32>
        %parallel_loop3A_271 = arith.index_cast %parallel_loop3A_235 : i32 to index
        %parallel_loop3A_272 = arith.constant 48 : index
        %parallel_loop3A_273 = tpu.vector_load %arg11[%parallel_loop3A_271, %parallel_loop3A_272] {strides = array<i32>} : memref<200x128xf32, #tpu.memory_space<vmem>>, vector<1x16xf32>,
        %parallel_loop3A_274 = vector.shape_cast %parallel_loop3A_273 : vector<1x16xf32> to vector<16xf32>
        %parallel_loop3A_275 = arith.addf %parallel_loop3A_270, %parallel_loop3A_274 : vector<16xf32>
        %parallel_loop3A_276 = arith.index_cast %select_n3A_126 : i32 to index
        %parallel_loop3A_277 = arith.index_cast %parallel_loop3A_229 : i32 to index
        %parallel_loop3A_278 = arith.constant 64 : index
        %parallel_loop3A_279 = tpu.vector_load %arg9[%parallel_loop3A_276, %parallel_loop3A_277, %parallel_loop3A_278] {strides = array<i32>} : memref<2x128x128xf32, #tpu.memory_space<vmem>>, vector<1x1x16xf32>,
        %parallel_loop3A_280 = vector.shape_cast %parallel_loop3A_279 : vector<1x1x16xf32> to vector<16xf32>
        %parallel_loop3A_281 = arith.index_cast %parallel_loop3A_235 : i32 to index
        %parallel_loop3A_282 = arith.constant 64 : index
        %parallel_loop3A_283 = tpu.vector_load %arg11[%parallel_loop3A_281, %parallel_loop3A_282] {strides = array<i32>} : memref<200x128xf32, #tpu.memory_space<vmem>>, vector<1x16xf32>,
        %parallel_loop3A_284 = vector.shape_cast %parallel_loop3A_283 : vector<1x16xf32> to vector<16xf32>
        %parallel_loop3A_285 = arith.addf %parallel_loop3A_280, %parallel_loop3A_284 : vector<16xf32>
        %parallel_loop3A_286 = arith.index_cast %select_n3A_126 : i32 to index
        %parallel_loop3A_287 = arith.index_cast %parallel_loop3A_229 : i32 to index
        %parallel_loop3A_288 = arith.constant 80 : index
        %parallel_loop3A_289 = tpu.vector_load %arg9[%parallel_loop3A_286, %parallel_loop3A_287, %parallel_loop3A_288] {strides = array<i32>} : memref<2x128x128xf32, #tpu.memory_space<vmem>>, vector<1x1x16xf32>,
        %parallel_loop3A_290 = vector.shape_cast %parallel_loop3A_289 : vector<1x1x16xf32> to vector<16xf32>
        %parallel_loop3A_291 = arith.index_cast %parallel_loop3A_235 : i32 to index
        %parallel_loop3A_292 = arith.constant 80 : index
        %parallel_loop3A_293 = tpu.vector_load %arg11[%parallel_loop3A_291, %parallel_loop3A_292] {strides = array<i32>} : memref<200x128xf32, #tpu.memory_space<vmem>>, vector<1x16xf32>,
        %parallel_loop3A_294 = vector.shape_cast %parallel_loop3A_293 : vector<1x16xf32> to vector<16xf32>
        %parallel_loop3A_295 = arith.addf %parallel_loop3A_290, %parallel_loop3A_294 : vector<16xf32>
        %parallel_loop3A_296 = arith.index_cast %select_n3A_126 : i32 to index
        %parallel_loop3A_297 = arith.index_cast %parallel_loop3A_229 : i32 to index
        %parallel_loop3A_298 = arith.constant 96 : index
        %parallel_loop3A_299 = tpu.vector_load %arg9[%parallel_loop3A_296, %parallel_loop3A_297, %parallel_loop3A_298] {strides = array<i32>} : memref<2x128x128xf32, #tpu.memory_space<vmem>>, vector<1x1x16xf32>,
        %parallel_loop3A_300 = vector.shape_cast %parallel_loop3A_299 : vector<1x1x16xf32> to vector<16xf32>
        %parallel_loop3A_301 = arith.index_cast %parallel_loop3A_235 : i32 to index
        %parallel_loop3A_302 = arith.constant 96 : index
        %parallel_loop3A_303 = tpu.vector_load %arg11[%parallel_loop3A_301, %parallel_loop3A_302] {strides = array<i32>} : memref<200x128xf32, #tpu.memory_space<vmem>>, vector<1x16xf32>,
        %parallel_loop3A_304 = vector.shape_cast %parallel_loop3A_303 : vector<1x16xf32> to vector<16xf32>
        %parallel_loop3A_305 = arith.addf %parallel_loop3A_300, %parallel_loop3A_304 : vector<16xf32>
        %parallel_loop3A_306 = arith.index_cast %select_n3A_126 : i32 to index
        %parallel_loop3A_307 = arith.index_cast %parallel_loop3A_229 : i32 to index
        %parallel_loop3A_308 = arith.constant 112 : index
        %parallel_loop3A_309 = tpu.vector_load %arg9[%parallel_loop3A_306, %parallel_loop3A_307, %parallel_loop3A_308] {strides = array<i32>} : memref<2x128x128xf32, #tpu.memory_space<vmem>>, vector<1x1x16xf32>,
        %parallel_loop3A_310 = vector.shape_cast %parallel_loop3A_309 : vector<1x1x16xf32> to vector<16xf32>
        %parallel_loop3A_311 = arith.index_cast %parallel_loop3A_235 : i32 to index
        %parallel_loop3A_312 = arith.constant 112 : index
        %parallel_loop3A_313 = tpu.vector_load %arg11[%parallel_loop3A_311, %parallel_loop3A_312] {strides = array<i32>} : memref<200x128xf32, #tpu.memory_space<vmem>>, vector<1x16xf32>,
        %parallel_loop3A_314 = vector.shape_cast %parallel_loop3A_313 : vector<1x16xf32> to vector<16xf32>
        %parallel_loop3A_315 = arith.addf %parallel_loop3A_310, %parallel_loop3A_314 : vector<16xf32>
        %parallel_loop3A_316 = arith.addf %parallel_loop3A_245, %parallel_loop3A_255 : vector<16xf32>
        %parallel_loop3A_317 = arith.addf %parallel_loop3A_265, %parallel_loop3A_275 : vector<16xf32>
        %parallel_loop3A_318 = arith.addf %parallel_loop3A_316, %parallel_loop3A_317 : vector<16xf32>
        %parallel_loop3A_319 = arith.addf %parallel_loop3A_285, %parallel_loop3A_295 : vector<16xf32>
        %parallel_loop3A_320 = arith.addf %parallel_loop3A_305, %parallel_loop3A_315 : vector<16xf32>
        %parallel_loop3A_321 = arith.addf %parallel_loop3A_319, %parallel_loop3A_320 : vector<16xf32>
        %parallel_loop3A_322 = arith.addf %parallel_loop3A_318, %parallel_loop3A_321 : vector<16xf32>
        %parallel_loop3A_323 = arith.mulf %parallel_loop3A_245, %parallel_loop3A_245 : vector<16xf32>
        %parallel_loop3A_324 = arith.mulf %parallel_loop3A_255, %parallel_loop3A_255 : vector<16xf32>
        %parallel_loop3A_325 = arith.mulf %parallel_loop3A_265, %parallel_loop3A_265 : vector<16xf32>
        %parallel_loop3A_326 = arith.mulf %parallel_loop3A_275, %parallel_loop3A_275 : vector<16xf32>
        %parallel_loop3A_327 = arith.mulf %parallel_loop3A_285, %parallel_loop3A_285 : vector<16xf32>
        %parallel_loop3A_328 = arith.mulf %parallel_loop3A_295, %parallel_loop3A_295 : vector<16xf32>
        %parallel_loop3A_329 = arith.mulf %parallel_loop3A_305, %parallel_loop3A_305 : vector<16xf32>
        %parallel_loop3A_330 = arith.mulf %parallel_loop3A_315, %parallel_loop3A_315 : vector<16xf32>
        %parallel_loop3A_331 = arith.addf %parallel_loop3A_323, %parallel_loop3A_324 : vector<16xf32>
        %parallel_loop3A_332 = arith.addf %parallel_loop3A_325, %parallel_loop3A_326 : vector<16xf32>
        %parallel_loop3A_333 = arith.addf %parallel_loop3A_331, %parallel_loop3A_332 : vector<16xf32>
        %parallel_loop3A_334 = arith.addf %parallel_loop3A_327, %parallel_loop3A_328 : vector<16xf32>
        %parallel_loop3A_335 = arith.addf %parallel_loop3A_329, %parallel_loop3A_330 : vector<16xf32>
        %parallel_loop3A_336 = arith.addf %parallel_loop3A_334, %parallel_loop3A_335 : vector<16xf32>
        %parallel_loop3A_337 = arith.addf %parallel_loop3A_333, %parallel_loop3A_336 : vector<16xf32>
        %parallel_loop3A_338 = arith.constant 0 : i32
        %parallel_loop3A_339 = vector.broadcast %parallel_loop3A_338 : i32 to vector<16xi32>
        %parallel_loop3A_340 = arith.cmpi slt, %xor3A_51, %parallel_loop3A_339 : vector<16xi32>
        %parallel_loop3A_341 = arith.constant 16 : i32
        %parallel_loop3A_342 = vector.broadcast %parallel_loop3A_341 : i32 to vector<16xi32>
        %parallel_loop3A_343 = arith.addi %xor3A_51, %parallel_loop3A_342 : vector<16xi32>
        %parallel_loop3A_344 = arith.select %parallel_loop3A_340, %parallel_loop3A_343, %xor3A_51 : vector<16xi1>, vector<16xi32>
        %parallel_loop3A_345 = vector.shape_cast %parallel_loop3A_344 : vector<16xi32> to vector<16x1xi32>
        %parallel_loop3A_346 = vector.shape_cast %parallel_loop3A_345 : vector<16x1xi32> to vector<16xi32>
        %parallel_loop3A_347 = tpu.dynamic_gather %parallel_loop3A_322[%parallel_loop3A_346] in [0] : vector<16xf32>, vector<16xi32> -> vector<16xf32>
        %parallel_loop3A_348 = arith.addf %parallel_loop3A_322, %parallel_loop3A_347 : vector<16xf32>
        %parallel_loop3A_349 = arith.constant 0 : i32
        %parallel_loop3A_350 = vector.broadcast %parallel_loop3A_349 : i32 to vector<16xi32>
        %parallel_loop3A_351 = arith.cmpi slt, %xor3A_51, %parallel_loop3A_350 : vector<16xi32>
        %parallel_loop3A_352 = arith.constant 16 : i32
        %parallel_loop3A_353 = vector.broadcast %parallel_loop3A_352 : i32 to vector<16xi32>
        %parallel_loop3A_354 = arith.addi %xor3A_51, %parallel_loop3A_353 : vector<16xi32>
        %parallel_loop3A_355 = arith.select %parallel_loop3A_351, %parallel_loop3A_354, %xor3A_51 : vector<16xi1>, vector<16xi32>
        %parallel_loop3A_356 = vector.shape_cast %parallel_loop3A_355 : vector<16xi32> to vector<16x1xi32>
        %parallel_loop3A_357 = vector.shape_cast %parallel_loop3A_356 : vector<16x1xi32> to vector<16xi32>
        %parallel_loop3A_358 = tpu.dynamic_gather %parallel_loop3A_337[%parallel_loop3A_357] in [0] : vector<16xf32>, vector<16xi32> -> vector<16xf32>
        %parallel_loop3A_359 = arith.addf %parallel_loop3A_337, %parallel_loop3A_358 : vector<16xf32>
        %parallel_loop3A_360 = arith.constant 0 : i32
        %parallel_loop3A_361 = vector.broadcast %parallel_loop3A_360 : i32 to vector<16xi32>
        %parallel_loop3A_362 = arith.cmpi slt, %xor3A_55, %parallel_loop3A_361 : vector<16xi32>
        %parallel_loop3A_363 = arith.constant 16 : i32
        %parallel_loop3A_364 = vector.broadcast %parallel_loop3A_363 : i32 to vector<16xi32>
        %parallel_loop3A_365 = arith.addi %xor3A_55, %parallel_loop3A_364 : vector<16xi32>
        %parallel_loop3A_366 = arith.select %parallel_loop3A_362, %parallel_loop3A_365, %xor3A_55 : vector<16xi1>, vector<16xi32>
        %parallel_loop3A_367 = vector.shape_cast %parallel_loop3A_366 : vector<16xi32> to vector<16x1xi32>
        %parallel_loop3A_368 = vector.shape_cast %parallel_loop3A_367 : vector<16x1xi32> to vector<16xi32>
        %parallel_loop3A_369 = tpu.dynamic_gather %parallel_loop3A_348[%parallel_loop3A_368] in [0] : vector<16xf32>, vector<16xi32> -> vector<16xf32>
        %parallel_loop3A_370 = arith.addf %parallel_loop3A_348, %parallel_loop3A_369 : vector<16xf32>
        %parallel_loop3A_371 = arith.constant 0 : i32
        %parallel_loop3A_372 = vector.broadcast %parallel_loop3A_371 : i32 to vector<16xi32>
        %parallel_loop3A_373 = arith.cmpi slt, %xor3A_55, %parallel_loop3A_372 : vector<16xi32>
        %parallel_loop3A_374 = arith.constant 16 : i32
        %parallel_loop3A_375 = vector.broadcast %parallel_loop3A_374 : i32 to vector<16xi32>
        %parallel_loop3A_376 = arith.addi %xor3A_55, %parallel_loop3A_375 : vector<16xi32>
        %parallel_loop3A_377 = arith.select %parallel_loop3A_373, %parallel_loop3A_376, %xor3A_55 : vector<16xi1>, vector<16xi32>
        %parallel_loop3A_378 = vector.shape_cast %parallel_loop3A_377 : vector<16xi32> to vector<16x1xi32>
        %parallel_loop3A_379 = vector.shape_cast %parallel_loop3A_378 : vector<16x1xi32> to vector<16xi32>
        %parallel_loop3A_380 = tpu.dynamic_gather %parallel_loop3A_359[%parallel_loop3A_379] in [0] : vector<16xf32>, vector<16xi32> -> vector<16xf32>
        %parallel_loop3A_381 = arith.addf %parallel_loop3A_359, %parallel_loop3A_380 : vector<16xf32>
        %parallel_loop3A_382 = arith.constant 0 : i32
        %parallel_loop3A_383 = vector.broadcast %parallel_loop3A_382 : i32 to vector<16xi32>
        %parallel_loop3A_384 = arith.cmpi slt, %xor3A_59, %parallel_loop3A_383 : vector<16xi32>
        %parallel_loop3A_385 = arith.constant 16 : i32
        %parallel_loop3A_386 = vector.broadcast %parallel_loop3A_385 : i32 to vector<16xi32>
        %parallel_loop3A_387 = arith.addi %xor3A_59, %parallel_loop3A_386 : vector<16xi32>
        %parallel_loop3A_388 = arith.select %parallel_loop3A_384, %parallel_loop3A_387, %xor3A_59 : vector<16xi1>, vector<16xi32>
        %parallel_loop3A_389 = vector.shape_cast %parallel_loop3A_388 : vector<16xi32> to vector<16x1xi32>
        %parallel_loop3A_390 = vector.shape_cast %parallel_loop3A_389 : vector<16x1xi32> to vector<16xi32>
        %parallel_loop3A_391 = tpu.dynamic_gather %parallel_loop3A_370[%parallel_loop3A_390] in [0] : vector<16xf32>, vector<16xi32> -> vector<16xf32>
        %parallel_loop3A_392 = arith.addf %parallel_loop3A_370, %parallel_loop3A_391 : vector<16xf32>
        %parallel_loop3A_393 = arith.constant 0 : i32
        %parallel_loop3A_394 = vector.broadcast %parallel_loop3A_393 : i32 to vector<16xi32>
        %parallel_loop3A_395 = arith.cmpi slt, %xor3A_59, %parallel_loop3A_394 : vector<16xi32>
        %parallel_loop3A_396 = arith.constant 16 : i32
        %parallel_loop3A_397 = vector.broadcast %parallel_loop3A_396 : i32 to vector<16xi32>
        %parallel_loop3A_398 = arith.addi %xor3A_59, %parallel_loop3A_397 : vector<16xi32>
        %parallel_loop3A_399 = arith.select %parallel_loop3A_395, %parallel_loop3A_398, %xor3A_59 : vector<16xi1>, vector<16xi32>
        %parallel_loop3A_400 = vector.shape_cast %parallel_loop3A_399 : vector<16xi32> to vector<16x1xi32>
        %parallel_loop3A_401 = vector.shape_cast %parallel_loop3A_400 : vector<16x1xi32> to vector<16xi32>
        %parallel_loop3A_402 = tpu.dynamic_gather %parallel_loop3A_381[%parallel_loop3A_401] in [0] : vector<16xf32>, vector<16xi32> -> vector<16xf32>
        %parallel_loop3A_403 = arith.addf %parallel_loop3A_381, %parallel_loop3A_402 : vector<16xf32>
        %parallel_loop3A_404 = arith.constant 0 : i32
        %parallel_loop3A_405 = vector.broadcast %parallel_loop3A_404 : i32 to vector<16xi32>
        %parallel_loop3A_406 = arith.cmpi slt, %xor3A_63, %parallel_loop3A_405 : vector<16xi32>
        %parallel_loop3A_407 = arith.constant 16 : i32
        %parallel_loop3A_408 = vector.broadcast %parallel_loop3A_407 : i32 to vector<16xi32>
        %parallel_loop3A_409 = arith.addi %xor3A_63, %parallel_loop3A_408 : vector<16xi32>
        %parallel_loop3A_410 = arith.select %parallel_loop3A_406, %parallel_loop3A_409, %xor3A_63 : vector<16xi1>, vector<16xi32>
        %parallel_loop3A_411 = vector.shape_cast %parallel_loop3A_410 : vector<16xi32> to vector<16x1xi32>
        %parallel_loop3A_412 = vector.shape_cast %parallel_loop3A_411 : vector<16x1xi32> to vector<16xi32>
        %parallel_loop3A_413 = tpu.dynamic_gather %parallel_loop3A_392[%parallel_loop3A_412] in [0] : vector<16xf32>, vector<16xi32> -> vector<16xf32>
        %parallel_loop3A_414 = arith.addf %parallel_loop3A_392, %parallel_loop3A_413 : vector<16xf32>
        %parallel_loop3A_415 = arith.constant 0 : i32
        %parallel_loop3A_416 = vector.broadcast %parallel_loop3A_415 : i32 to vector<16xi32>
        %parallel_loop3A_417 = arith.cmpi slt, %xor3A_63, %parallel_loop3A_416 : vector<16xi32>
        %parallel_loop3A_418 = arith.constant 16 : i32
        %parallel_loop3A_419 = vector.broadcast %parallel_loop3A_418 : i32 to vector<16xi32>
        %parallel_loop3A_420 = arith.addi %xor3A_63, %parallel_loop3A_419 : vector<16xi32>
        %parallel_loop3A_421 = arith.select %parallel_loop3A_417, %parallel_loop3A_420, %xor3A_63 : vector<16xi1>, vector<16xi32>
        %parallel_loop3A_422 = vector.shape_cast %parallel_loop3A_421 : vector<16xi32> to vector<16x1xi32>
        %parallel_loop3A_423 = vector.shape_cast %parallel_loop3A_422 : vector<16x1xi32> to vector<16xi32>
        %parallel_loop3A_424 = tpu.dynamic_gather %parallel_loop3A_403[%parallel_loop3A_423] in [0] : vector<16xf32>, vector<16xi32> -> vector<16xf32>
        %parallel_loop3A_425 = arith.addf %parallel_loop3A_403, %parallel_loop3A_424 : vector<16xf32>
        %parallel_loop3A_426 = arith.constant 7.812500e-03 : f32
        %parallel_loop3A_427 = vector.broadcast %parallel_loop3A_426 : f32 to vector<16xf32>
        %parallel_loop3A_428 = arith.mulf %parallel_loop3A_414, %parallel_loop3A_427 : vector<16xf32>
        %parallel_loop3A_429 = arith.constant 7.812500e-03 : f32
        %parallel_loop3A_430 = vector.broadcast %parallel_loop3A_429 : f32 to vector<16xf32>
        %parallel_loop3A_431 = arith.mulf %parallel_loop3A_425, %parallel_loop3A_430 : vector<16xf32>
        %parallel_loop3A_432 = arith.mulf %parallel_loop3A_428, %parallel_loop3A_428 : vector<16xf32>
        %parallel_loop3A_433 = arith.subf %parallel_loop3A_431, %parallel_loop3A_432 : vector<16xf32>
        %parallel_loop3A_434 = arith.constant 9.99999974E-6 : f32
        %parallel_loop3A_435 = vector.broadcast %parallel_loop3A_434 : f32 to vector<16xf32>
        %parallel_loop3A_436 = arith.addf %parallel_loop3A_433, %parallel_loop3A_435 : vector<16xf32>
        %parallel_loop3A_437 = tpu.bitcast %parallel_loop3A_436 : vector<16xf32> -> vector<16xi32>
        %parallel_loop3A_438 = arith.constant 1597463007 : i32
        %parallel_loop3A_439 = vector.broadcast %parallel_loop3A_438 : i32 to vector<16xi32>
        %parallel_loop3A_440 = arith.constant 1 : i32
        %parallel_loop3A_441 = vector.broadcast %parallel_loop3A_440 : i32 to vector<16xi32>
        %parallel_loop3A_442 = arith.shrui %parallel_loop3A_437, %parallel_loop3A_441 : vector<16xi32>
        %parallel_loop3A_443 = arith.subi %parallel_loop3A_439, %parallel_loop3A_442 : vector<16xi32>
        %parallel_loop3A_444 = tpu.bitcast %parallel_loop3A_443 : vector<16xi32> -> vector<16xf32>
        %parallel_loop3A_445 = arith.constant 5.000000e-01 : f32
        %parallel_loop3A_446 = vector.broadcast %parallel_loop3A_445 : f32 to vector<16xf32>
        %parallel_loop3A_447 = arith.mulf %parallel_loop3A_446, %parallel_loop3A_436 : vector<16xf32>
        %parallel_loop3A_448 = arith.mulf %parallel_loop3A_447, %parallel_loop3A_444 : vector<16xf32>
        %parallel_loop3A_449 = arith.mulf %parallel_loop3A_448, %parallel_loop3A_444 : vector<16xf32>
        %parallel_loop3A_450 = arith.constant 1.500000e+00 : f32
        %parallel_loop3A_451 = vector.broadcast %parallel_loop3A_450 : f32 to vector<16xf32>
        %parallel_loop3A_452 = arith.subf %parallel_loop3A_451, %parallel_loop3A_449 : vector<16xf32>
        %parallel_loop3A_453 = arith.mulf %parallel_loop3A_444, %parallel_loop3A_452 : vector<16xf32>
        %parallel_loop3A_454 = arith.subf %parallel_loop3A_245, %parallel_loop3A_428 : vector<16xf32>
        %parallel_loop3A_455 = arith.mulf %parallel_loop3A_454, %parallel_loop3A_453 : vector<16xf32>
        %parallel_loop3A_456 = arith.mulf %parallel_loop3A_455, %get3A_4 : vector<16xf32>
        %parallel_loop3A_457 = arith.addf %parallel_loop3A_456, %get3A_28 : vector<16xf32>
        %parallel_loop3A_458 = arith.index_cast %select_n3A_126 : i32 to index
        %parallel_loop3A_459 = arith.index_cast %parallel_loop3A_229 : i32 to index
        %parallel_loop3A_460 = arith.constant 0 : index
        %parallel_loop3A_461 = tpu.vector_load %arg10[%parallel_loop3A_458, %parallel_loop3A_459, %parallel_loop3A_460] {strides = array<i32>} : memref<2x128x128xf32, #tpu.memory_space<vmem>>, vector<1x1x16xf32>,
        %parallel_loop3A_462 = vector.shape_cast %parallel_loop3A_461 : vector<1x1x16xf32> to vector<16xf32>
        %parallel_loop3A_463 = vector.shape_cast %parallel_loop3A_457 : vector<16xf32> to vector<1x1x16xf32>
        tpu.vector_store %arg10[%parallel_loop3A_458, %parallel_loop3A_459, %parallel_loop3A_460], %parallel_loop3A_463 {strides = array<i32>} : memref<2x128x128xf32, #tpu.memory_space<vmem>>, vector<1x1x16xf32>,
        %parallel_loop3A_464 = arith.subf %parallel_loop3A_255, %parallel_loop3A_428 : vector<16xf32>
        %parallel_loop3A_465 = arith.mulf %parallel_loop3A_464, %parallel_loop3A_453 : vector<16xf32>
        %parallel_loop3A_466 = arith.mulf %parallel_loop3A_465, %get3A_7 : vector<16xf32>
        %parallel_loop3A_467 = arith.addf %parallel_loop3A_466, %get3A_31 : vector<16xf32>
        %parallel_loop3A_468 = arith.index_cast %select_n3A_126 : i32 to index
        %parallel_loop3A_469 = arith.index_cast %parallel_loop3A_229 : i32 to index
        %parallel_loop3A_470 = arith.constant 16 : index
        %parallel_loop3A_471 = tpu.vector_load %arg10[%parallel_loop3A_468, %parallel_loop3A_469, %parallel_loop3A_470] {strides = array<i32>} : memref<2x128x128xf32, #tpu.memory_space<vmem>>, vector<1x1x16xf32>,
        %parallel_loop3A_472 = vector.shape_cast %parallel_loop3A_471 : vector<1x1x16xf32> to vector<16xf32>
        %parallel_loop3A_473 = vector.shape_cast %parallel_loop3A_467 : vector<16xf32> to vector<1x1x16xf32>
        tpu.vector_store %arg10[%parallel_loop3A_468, %parallel_loop3A_469, %parallel_loop3A_470], %parallel_loop3A_473 {strides = array<i32>} : memref<2x128x128xf32, #tpu.memory_space<vmem>>, vector<1x1x16xf32>,
        %parallel_loop3A_474 = arith.subf %parallel_loop3A_265, %parallel_loop3A_428 : vector<16xf32>
        %parallel_loop3A_475 = arith.mulf %parallel_loop3A_474, %parallel_loop3A_453 : vector<16xf32>
        %parallel_loop3A_476 = arith.mulf %parallel_loop3A_475, %get3A_10 : vector<16xf32>
        %parallel_loop3A_477 = arith.addf %parallel_loop3A_476, %get3A_34 : vector<16xf32>
        %parallel_loop3A_478 = arith.index_cast %select_n3A_126 : i32 to index
        %parallel_loop3A_479 = arith.index_cast %parallel_loop3A_229 : i32 to index
        %parallel_loop3A_480 = arith.constant 32 : index
        %parallel_loop3A_481 = tpu.vector_load %arg10[%parallel_loop3A_478, %parallel_loop3A_479, %parallel_loop3A_480] {strides = array<i32>} : memref<2x128x128xf32, #tpu.memory_space<vmem>>, vector<1x1x16xf32>,
        %parallel_loop3A_482 = vector.shape_cast %parallel_loop3A_481 : vector<1x1x16xf32> to vector<16xf32>
        %parallel_loop3A_483 = vector.shape_cast %parallel_loop3A_477 : vector<16xf32> to vector<1x1x16xf32>
        tpu.vector_store %arg10[%parallel_loop3A_478, %parallel_loop3A_479, %parallel_loop3A_480], %parallel_loop3A_483 {strides = array<i32>} : memref<2x128x128xf32, #tpu.memory_space<vmem>>, vector<1x1x16xf32>,
        %parallel_loop3A_484 = arith.subf %parallel_loop3A_275, %parallel_loop3A_428 : vector<16xf32>
        %parallel_loop3A_485 = arith.mulf %parallel_loop3A_484, %parallel_loop3A_453 : vector<16xf32>
        %parallel_loop3A_486 = arith.mulf %parallel_loop3A_485, %get3A_13 : vector<16xf32>
        %parallel_loop3A_487 = arith.addf %parallel_loop3A_486, %get3A_37 : vector<16xf32>
        %parallel_loop3A_488 = arith.index_cast %select_n3A_126 : i32 to index
        %parallel_loop3A_489 = arith.index_cast %parallel_loop3A_229 : i32 to index
        %parallel_loop3A_490 = arith.constant 48 : index
        %parallel_loop3A_491 = tpu.vector_load %arg10[%parallel_loop3A_488, %parallel_loop3A_489, %parallel_loop3A_490] {strides = array<i32>} : memref<2x128x128xf32, #tpu.memory_space<vmem>>, vector<1x1x16xf32>,
        %parallel_loop3A_492 = vector.shape_cast %parallel_loop3A_491 : vector<1x1x16xf32> to vector<16xf32>
        %parallel_loop3A_493 = vector.shape_cast %parallel_loop3A_487 : vector<16xf32> to vector<1x1x16xf32>
        tpu.vector_store %arg10[%parallel_loop3A_488, %parallel_loop3A_489, %parallel_loop3A_490], %parallel_loop3A_493 {strides = array<i32>} : memref<2x128x128xf32, #tpu.memory_space<vmem>>, vector<1x1x16xf32>,
        %parallel_loop3A_494 = arith.subf %parallel_loop3A_285, %parallel_loop3A_428 : vector<16xf32>
        %parallel_loop3A_495 = arith.mulf %parallel_loop3A_494, %parallel_loop3A_453 : vector<16xf32>
        %parallel_loop3A_496 = arith.mulf %parallel_loop3A_495, %get3A_16 : vector<16xf32>
        %parallel_loop3A_497 = arith.addf %parallel_loop3A_496, %get3A_40 : vector<16xf32>
        %parallel_loop3A_498 = arith.index_cast %select_n3A_126 : i32 to index
        %parallel_loop3A_499 = arith.index_cast %parallel_loop3A_229 : i32 to index
        %parallel_loop3A_500 = arith.constant 64 : index
        %parallel_loop3A_501 = tpu.vector_load %arg10[%parallel_loop3A_498, %parallel_loop3A_499, %parallel_loop3A_500] {strides = array<i32>} : memref<2x128x128xf32, #tpu.memory_space<vmem>>, vector<1x1x16xf32>,
        %parallel_loop3A_502 = vector.shape_cast %parallel_loop3A_501 : vector<1x1x16xf32> to vector<16xf32>
        %parallel_loop3A_503 = vector.shape_cast %parallel_loop3A_497 : vector<16xf32> to vector<1x1x16xf32>
        tpu.vector_store %arg10[%parallel_loop3A_498, %parallel_loop3A_499, %parallel_loop3A_500], %parallel_loop3A_503 {strides = array<i32>} : memref<2x128x128xf32, #tpu.memory_space<vmem>>, vector<1x1x16xf32>,
        %parallel_loop3A_504 = arith.subf %parallel_loop3A_295, %parallel_loop3A_428 : vector<16xf32>
        %parallel_loop3A_505 = arith.mulf %parallel_loop3A_504, %parallel_loop3A_453 : vector<16xf32>
        %parallel_loop3A_506 = arith.mulf %parallel_loop3A_505, %get3A_19 : vector<16xf32>
        %parallel_loop3A_507 = arith.addf %parallel_loop3A_506, %get3A_43 : vector<16xf32>
        %parallel_loop3A_508 = arith.index_cast %select_n3A_126 : i32 to index
        %parallel_loop3A_509 = arith.index_cast %parallel_loop3A_229 : i32 to index
        %parallel_loop3A_510 = arith.constant 80 : index
        %parallel_loop3A_511 = tpu.vector_load %arg10[%parallel_loop3A_508, %parallel_loop3A_509, %parallel_loop3A_510] {strides = array<i32>} : memref<2x128x128xf32, #tpu.memory_space<vmem>>, vector<1x1x16xf32>,
        %parallel_loop3A_512 = vector.shape_cast %parallel_loop3A_511 : vector<1x1x16xf32> to vector<16xf32>
        %parallel_loop3A_513 = vector.shape_cast %parallel_loop3A_507 : vector<16xf32> to vector<1x1x16xf32>
        tpu.vector_store %arg10[%parallel_loop3A_508, %parallel_loop3A_509, %parallel_loop3A_510], %parallel_loop3A_513 {strides = array<i32>} : memref<2x128x128xf32, #tpu.memory_space<vmem>>, vector<1x1x16xf32>,
        %parallel_loop3A_514 = arith.subf %parallel_loop3A_305, %parallel_loop3A_428 : vector<16xf32>
        %parallel_loop3A_515 = arith.mulf %parallel_loop3A_514, %parallel_loop3A_453 : vector<16xf32>
        %parallel_loop3A_516 = arith.mulf %parallel_loop3A_515, %get3A_22 : vector<16xf32>
        %parallel_loop3A_517 = arith.addf %parallel_loop3A_516, %get3A_46 : vector<16xf32>
        %parallel_loop3A_518 = arith.index_cast %select_n3A_126 : i32 to index
        %parallel_loop3A_519 = arith.index_cast %parallel_loop3A_229 : i32 to index
        %parallel_loop3A_520 = arith.constant 96 : index
        %parallel_loop3A_521 = tpu.vector_load %arg10[%parallel_loop3A_518, %parallel_loop3A_519, %parallel_loop3A_520] {strides = array<i32>} : memref<2x128x128xf32, #tpu.memory_space<vmem>>, vector<1x1x16xf32>,
        %parallel_loop3A_522 = vector.shape_cast %parallel_loop3A_521 : vector<1x1x16xf32> to vector<16xf32>
        %parallel_loop3A_523 = vector.shape_cast %parallel_loop3A_517 : vector<16xf32> to vector<1x1x16xf32>
        tpu.vector_store %arg10[%parallel_loop3A_518, %parallel_loop3A_519, %parallel_loop3A_520], %parallel_loop3A_523 {strides = array<i32>} : memref<2x128x128xf32, #tpu.memory_space<vmem>>, vector<1x1x16xf32>,
        %parallel_loop3A_524 = arith.subf %parallel_loop3A_315, %parallel_loop3A_428 : vector<16xf32>
        %parallel_loop3A_525 = arith.mulf %parallel_loop3A_524, %parallel_loop3A_453 : vector<16xf32>
        %parallel_loop3A_526 = arith.mulf %parallel_loop3A_525, %get3A_25 : vector<16xf32>
        %parallel_loop3A_527 = arith.addf %parallel_loop3A_526, %get3A_49 : vector<16xf32>
        %parallel_loop3A_528 = arith.index_cast %select_n3A_126 : i32 to index
        %parallel_loop3A_529 = arith.index_cast %parallel_loop3A_229 : i32 to index
        %parallel_loop3A_530 = arith.constant 112 : index
        %parallel_loop3A_531 = tpu.vector_load %arg10[%parallel_loop3A_528, %parallel_loop3A_529, %parallel_loop3A_530] {strides = array<i32>} : memref<2x128x128xf32, #tpu.memory_space<vmem>>, vector<1x1x16xf32>,
        %parallel_loop3A_532 = vector.shape_cast %parallel_loop3A_531 : vector<1x1x16xf32> to vector<16xf32>
        %parallel_loop3A_533 = vector.shape_cast %parallel_loop3A_527 : vector<16xf32> to vector<1x1x16xf32>
        tpu.vector_store %arg10[%parallel_loop3A_528, %parallel_loop3A_529, %parallel_loop3A_530], %parallel_loop3A_533 {strides = array<i32>} : memref<2x128x128xf32, #tpu.memory_space<vmem>>, vector<1x1x16xf32>,
      } {sc.loop_unroll_factor = 2 : i64, sc.parallel_access}
      %eq3A_219 = arith.constant 0 : i32
      %eq3A_220 = arith.cmpi eq, %select_n3A_126, %eq3A_219 : i32
      %convert_element_type3A_221 = arith.extui %eq3A_220 : i1 to i32
      %cond3A_222 = arith.constant 0 : i32
      %cond3A_223 = arith.cmpi ne, %convert_element_type3A_221, %cond3A_222 : i32
      scf.if %cond3A_223 {
        %dma_start3A_229 = arith.constant 0 : i32
        %dma_start3A_230 = arith.constant 0 : i32
        %dma_start3A_231 = tpu.memref_slice %arg10[%select_n3A_126, %dma_start3A_229, %dma_start3A_230] : memref<2x128x128xf32, #tpu.memory_space<vmem>> -> memref<1x128x128xf32, #tpu.memory_space<vmem>>
        %dma_start3A_232 = tpu.memref_squeeze %dma_start3A_231 : memref<1x128x128xf32, #tpu.memory_space<vmem>> -> memref<128x128xf32, #tpu.memory_space<vmem>>
        %dma_start3A_233 = arith.constant 0 : i32
        %dma_start3A_234 = tpu.memref_slice %arg7[%add3A_147, %dma_start3A_233] : memref<204800x128xf32, #tpu.memory_space<hbm>> -> memref<128x128xf32, #tpu.memory_space<hbm>>
        %dma_start3A_235 = arith.constant 0 : i32
        %dma_start3A_236 = tpu.memref_slice %arg7[%add3A_147, %dma_start3A_235] : memref<204800x128xf32, #tpu.memory_space<hbm>> -> memref<128x128xf32, #tpu.memory_space<hbm>>
        %dma_start3A_237 = arith.constant 0 : i32
        %dma_start3A_238 = arith.constant 0 : i32
        %dma_start3A_239 = tpu.memref_slice %arg10[%select_n3A_126, %dma_start3A_237, %dma_start3A_238] : memref<2x128x128xf32, #tpu.memory_space<vmem>> -> memref<1x128x128xf32, #tpu.memory_space<vmem>>
        %dma_start3A_240 = tpu.memref_squeeze %dma_start3A_239 : memref<1x128x128xf32, #tpu.memory_space<vmem>> -> memref<128x128xf32, #tpu.memory_space<vmem>>
        tpu.enqueue_dma source(%dma_start3A_240 : memref<128x128xf32, #tpu.memory_space<vmem>>) target(%dma_start3A_236 : memref<128x128xf32, #tpu.memory_space<hbm>>) target_semaphore(%arg15 : memref<!tpu.dma_semaphore, #tpu.memory_space<semaphore_mem>>)
      } else {
      }
      %eq3A_224 = arith.constant 1 : i32
      %eq3A_225 = arith.cmpi eq, %select_n3A_126, %eq3A_224 : i32
      %convert_element_type3A_226 = arith.extui %eq3A_225 : i1 to i32
      %cond3A_227 = arith.constant 0 : i32
      %cond3A_228 = arith.cmpi ne, %convert_element_type3A_226, %cond3A_227 : i32
      scf.if %cond3A_228 {
        %dma_start3A_229 = arith.constant 0 : i32
        %dma_start3A_230 = arith.constant 0 : i32
        %dma_start3A_231 = tpu.memref_slice %arg10[%select_n3A_126, %dma_start3A_229, %dma_start3A_230] : memref<2x128x128xf32, #tpu.memory_space<vmem>> -> memref<1x128x128xf32, #tpu.memory_space<vmem>>
        %dma_start3A_232 = tpu.memref_squeeze %dma_start3A_231 : memref<1x128x128xf32, #tpu.memory_space<vmem>> -> memref<128x128xf32, #tpu.memory_space<vmem>>
        %dma_start3A_233 = arith.constant 0 : i32
        %dma_start3A_234 = tpu.memref_slice %arg7[%add3A_147, %dma_start3A_233] : memref<204800x128xf32, #tpu.memory_space<hbm>> -> memref<128x128xf32, #tpu.memory_space<hbm>>
        %dma_start3A_235 = arith.constant 0 : i32
        %dma_start3A_236 = tpu.memref_slice %arg7[%add3A_147, %dma_start3A_235] : memref<204800x128xf32, #tpu.memory_space<hbm>> -> memref<128x128xf32, #tpu.memory_space<hbm>>
        %dma_start3A_237 = arith.constant 0 : i32
        %dma_start3A_238 = arith.constant 0 : i32
        %dma_start3A_239 = tpu.memref_slice %arg10[%select_n3A_126, %dma_start3A_237, %dma_start3A_238] : memref<2x128x128xf32, #tpu.memory_space<vmem>> -> memref<1x128x128xf32, #tpu.memory_space<vmem>>
        %dma_start3A_240 = tpu.memref_squeeze %dma_start3A_239 : memref<1x128x128xf32, #tpu.memory_space<vmem>> -> memref<128x128xf32, #tpu.memory_space<vmem>>
        tpu.enqueue_dma source(%dma_start3A_240 : memref<128x128xf32, #tpu.memory_space<vmem>>) target(%dma_start3A_236 : memref<128x128xf32, #tpu.memory_space<hbm>>) target_semaphore(%arg16 : memref<!tpu.dma_semaphore, #tpu.memory_space<semaphore_mem>>)
      } else {
      }
    }
    %scan3A_79 = arith.constant 50 : i32
    %dma_wait3A = arith.constant 0 : i32
    %dma_wait3A_80 = arith.constant 0 : i32
    %dma_wait3A_81 = arith.constant 0 : i32
    %dma_wait3A_82 = arith.constant 0 : i32
    %dma_wait3A_83 = tpu.memref_slice %arg9[%dma_wait3A_80, %dma_wait3A_81, %dma_wait3A_82] : memref<2x128x128xf32, #tpu.memory_space<vmem>> -> memref<1x128x128xf32, #tpu.memory_space<vmem>>
    %dma_wait3A_84 = tpu.memref_squeeze %dma_wait3A_83 : memref<1x128x128xf32, #tpu.memory_space<vmem>> -> memref<128x128xf32, #tpu.memory_space<vmem>>
    %dma_wait3A_85 = arith.constant 0 : i32
    %dma_wait3A_86 = tpu.memref_slice %arg8[%dma_wait3A, %dma_wait3A_85] : memref<50x128xi32, #tpu.memory_space<vmem>> -> memref<1x128xi32, #tpu.memory_space<vmem>>
    %dma_wait3A_87 = tpu.memref_squeeze %dma_wait3A_86 : memref<1x128xi32, #tpu.memory_space<vmem>> -> memref<128xi32, #tpu.memory_space<vmem>>
    %dma_wait3A_88 = arith.constant 0 : i32
    %dma_wait3A_89 = arith.constant 0 : i32
    %dma_wait3A_90 = tpu.memref_slice %arg3[%dma_wait3A_88, %dma_wait3A_89] : memref<100000x128xf32, #tpu.memory_space<hbm>> -> memref<100000x128xf32, #tpu.memory_space<hbm>>
    tpu.wait_indirect_dma semaphore(%arg14 : memref<!tpu.dma_semaphore, #tpu.memory_space<semaphore_mem>>) src(%dma_wait3A_90 : memref<100000x128xf32, #tpu.memory_space<hbm>>) dst(%dma_wait3A_84 : memref<128x128xf32, #tpu.memory_space<vmem>>)
    %dma_wait3A_91 = arith.constant 0 : i32
    %dma_wait3A_92 = arith.constant 0 : i32
    %dma_wait3A_93 = arith.constant 0 : i32
    %dma_wait3A_94 = tpu.memref_slice %arg10[%dma_wait3A_91, %dma_wait3A_92, %dma_wait3A_93] : memref<2x128x128xf32, #tpu.memory_space<vmem>> -> memref<1x128x128xf32, #tpu.memory_space<vmem>>
    %dma_wait3A_95 = tpu.memref_squeeze %dma_wait3A_94 : memref<1x128x128xf32, #tpu.memory_space<vmem>> -> memref<128x128xf32, #tpu.memory_space<vmem>>
    %dma_wait3A_96 = arith.constant 0 : i32
    %dma_wait3A_97 = tpu.memref_slice %arg7[%mul3A_2, %dma_wait3A_96] : memref<204800x128xf32, #tpu.memory_space<hbm>> -> memref<128x128xf32, #tpu.memory_space<hbm>>
    %dma_wait3A_98 = arith.constant 0 : i32
    %dma_wait3A_99 = tpu.memref_slice %arg7[%mul3A_2, %dma_wait3A_98] : memref<204800x128xf32, #tpu.memory_space<hbm>> -> memref<128x128xf32, #tpu.memory_space<hbm>>
    %dma_wait3A_100 = arith.constant 0 : i32
    %dma_wait3A_101 = arith.constant 0 : i32
    %dma_wait3A_102 = tpu.memref_slice %arg10[%dma_wait3A_91, %dma_wait3A_100, %dma_wait3A_101] : memref<2x128x128xf32, #tpu.memory_space<vmem>> -> memref<1x128x128xf32, #tpu.memory_space<vmem>>
    %dma_wait3A_103 = tpu.memref_squeeze %dma_wait3A_102 : memref<1x128x128xf32, #tpu.memory_space<vmem>> -> memref<128x128xf32, #tpu.memory_space<vmem>>
    tpu.wait_dma2 semaphore(%arg15 : memref<!tpu.dma_semaphore, #tpu.memory_space<semaphore_mem>>) src(%dma_wait3A_103 : memref<128x128xf32, #tpu.memory_space<vmem>>) dst(%dma_wait3A_99 : memref<128x128xf32, #tpu.memory_space<hbm>>)
    %dma_wait3A_104 = arith.constant 1 : i32
    %dma_wait3A_105 = arith.constant 0 : i32
    %dma_wait3A_106 = arith.constant 0 : i32
    %dma_wait3A_107 = tpu.memref_slice %arg10[%dma_wait3A_104, %dma_wait3A_105, %dma_wait3A_106] : memref<2x128x128xf32, #tpu.memory_space<vmem>> -> memref<1x128x128xf32, #tpu.memory_space<vmem>>
    %dma_wait3A_108 = tpu.memref_squeeze %dma_wait3A_107 : memref<1x128x128xf32, #tpu.memory_space<vmem>> -> memref<128x128xf32, #tpu.memory_space<vmem>>
    %dma_wait3A_109 = arith.constant 0 : i32
    %dma_wait3A_110 = tpu.memref_slice %arg7[%mul3A_2, %dma_wait3A_109] : memref<204800x128xf32, #tpu.memory_space<hbm>> -> memref<128x128xf32, #tpu.memory_space<hbm>>
    %dma_wait3A_111 = arith.constant 0 : i32
    %dma_wait3A_112 = tpu.memref_slice %arg7[%mul3A_2, %dma_wait3A_111] : memref<204800x128xf32, #tpu.memory_space<hbm>> -> memref<128x128xf32, #tpu.memory_space<hbm>>
    %dma_wait3A_113 = arith.constant 0 : i32
    %dma_wait3A_114 = arith.constant 0 : i32
    %dma_wait3A_115 = tpu.memref_slice %arg10[%dma_wait3A_104, %dma_wait3A_113, %dma_wait3A_114] : memref<2x128x128xf32, #tpu.memory_space<vmem>> -> memref<1x128x128xf32, #tpu.memory_space<vmem>>
    %dma_wait3A_116 = tpu.memref_squeeze %dma_wait3A_115 : memref<1x128x128xf32, #tpu.memory_space<vmem>> -> memref<128x128xf32, #tpu.memory_space<vmem>>
    tpu.wait_dma2 semaphore(%arg16 : memref<!tpu.dma_semaphore, #tpu.memory_space<semaphore_mem>>) src(%dma_wait3A_116 : memref<128x128xf32, #tpu.memory_space<vmem>>) dst(%dma_wait3A_112 : memref<128x128xf32, #tpu.memory_space<hbm>>)
    return
  }
}

</mosaic_0001>

<sc_bundles>
// kernel: kernel.3.cloned.1.call-start
scs
__scs_entry_jumppad:
0x0: {  	(pc) =	sbr.rel $0x88, $3  }
0x1: {  	(tag) =	ssettag $0x0;
	lr =	simm.s32 $0x1  }
0x2: {  	[smem:$0x3F9C] =	sst lr;
	_ =	strace $0xD0000000  }
0x3: {  	_ = 	snop  }
0x4: {  	_ = 	snop  }
0x5: {  	_ = 	snop  }
0x6: {  	_ = 	snop  }
0x7: {  	_ = 	snop  }
__scs_overlays_trampoline_lowered:
0x8: {  	[smem:$0x3FAB] =	sst s0  }
0x9: {  	[smem:$0x3FAC] =	sst s1  }
0xa: {  	[smem:$0x3FAD] =	sst s2  }
0xb: {  	[smem:$0x3FAE] =	sst s3  }
0xc: {  	[smem:$0x3FAF] =	sst s4  }
0xd: {  	[smem:$0x3FB0] =	sst s5  }
0xe: {  	[smem:$0x3FB1] =	sst s6  }
0xf: {  	[smem:$0x3FB2] =	sst s7  }
0x10: {  	[smem:$0x3FB3] =	sst s8  }
0x11: {  	[smem:$0x3FB4] =	sst s9;
	s0 =	simm.s32 @!p0 $0x0  }
0x12: {  	s1 =	sld [smem:$0x3F9A];
	s0 =	simm.s32 @p0 $0x1  }
0x13: {  	[smem:$0x3FB5] =	sst s0;
	s0 =	simm.s32 @!p1 $0x0  }
0x14: {  	s2 =	sld [smem:$0x3F99];
	s0 =	simm.s32 @p1 $0x1  }
0x15: {  	[smem:$0x3FB6] =	sst s0;
	s0 =	simm.s32 @!p2 $0x0  }
0x16: {  	s3 =	sld [smem:$0x3FDB];
	s0 =	simm.s32 @p2 $0x1  }
0x17: {  	s4 =	simm.s32 $0x1BF5;
	[smem:$0x3FB8] =	sst s0  }
0x18: {  	s0 =	sld [smem:$0x3F9B];
	_ =	swait.ge [sflag:s4], $0x0  }
0x19: {  	s7 =	sld [smem:$0x3F9C]  }
0x1a: {  	s8 =	sadd.s32 $0xFFFFE003, lr  }
0x1b: {  	s9 =	sadd.s32 $0xFFFFFEF7, lr;
	s5 =	simm.s32 $0xFFFFFFFF;
	p2 =	slt.u32 s8, $0xFFFFF086  }
0x1c: {  	p1 =	slt.u32 s9, $0xF7A;
	s5 =	simm.s32 @!p2 $0x0  }
0x1d: {  	s5 =	simm.s32 @p1 $0x1;
	p0 =	seq.s32 s7, s2  }
0x1e: {  	s7 =	smul.u32 @!p0 $0xF7A, s2;
	p2 =	seq.s32 @!p0 s5, $0x0  }
0x1f: {  	s9 =	smul.u32 $0xF7A, s1;
	s8 =	simm.s32 @!p0 $0x1BF5;
	p2 =	por !p2, p0  }
0x20: {  	[sflag:s8] =	ssyncset.s32 @!p0 $0xFFFFF086;
	s6 =	sadd.s32 @!p0 s3, s7;
	s7 =	simm.s32 @!p0 $0x108  }
0x21: {  	s3 =	sadd.s32 s3, s9;
	s6 =	sadd.s32 @!p0 $0x88, s6;
	s7 =	simm.s32 @p2 $0x1082  }
0x22: {  	[simem:s7], [sflag:s8] =	dma.local @!p0 [hbm:s6], $0xF7A  }
0x23: {  	s9 =	sor.u32 $0xD0000000, s2;
	s6 =	simm.s32 $0x108;
	_ =	swait.ge @!p0 [sflag:s8], $0x0  }
0x24: {  	s3 =	sadd.s32 $0x88, s3;
	s6 =	simm.s32 @!p1 $0x1082;
	[sflag:s4] =	ssyncset.s32 $0xFFFFF086  }
0x25: {  	[simem:s6], [sflag:s4] =	dma.local [hbm:s3], $0xF7A  }
0x26: {  	[smem:$0x3F9C] =	sst s1;
	(tag) =	ssettag s2;
	_ =	strace s9  }
0x27: {  	s1 =	sld [smem:$0x3FAC]  }
0x28: {  	s2 =	sld [smem:$0x3FAD]  }
0x29: {  	s4 =	sld [smem:$0x3FAF]  }
0x2a: {  	p0 =	seq.s32 s5, $0x0;
	s5 =	sld [smem:$0x3FB0]  }
0x2b: {  	s6 =	sld [smem:$0x3FB1]  }
0x2c: {  	s7 =	sld [smem:$0x3FB2]  }
0x2d: {  	s3 =	simm.s32 $0x108;
	s8 =	sld [smem:$0x3FB3]  }
0x2e: {  	s3 =	simm.s32 @!p0 $0x1082;
	s9 =	sld [smem:$0x3FB4]  }
0x2f: {  	lr =	sadd.s32 s0, s3;
	s0 =	sld [smem:$0x3FAB]  }
0x30: {  	s3 =	sld [smem:$0x3FAE]  }
0x31: {  	[smem:$0x3FB7] =	sst s10  }
0x32: {  	s10 =	sld [smem:$0x3FB5];
	_ =	sdelay $0x3  }
0x33: {  	p0 =	seq.s32 s10, $0x1;
	s10 =	sld [smem:$0x3FB7];
	_ =	sdelay $0x3  }
0x34: {  	[smem:$0x3FB7] =	sst s10  }
0x35: {  	s10 =	sld [smem:$0x3FB6];
	_ =	sdelay $0x3  }
0x36: {  	p1 =	seq.s32 s10, $0x1;
	s10 =	sld [smem:$0x3FB7];
	_ =	sdelay $0x3  }
0x37: {  	[smem:$0x3FB7] =	sst s10  }
0x38: {  	s10 =	sld [smem:$0x3FB8]  }
0x39: {  	_ = 	snop;
	(pc) =	sbr.ind lr, $3  }
0x3a: {  	_ = 	snop  }
0x3b: {  	_ = 	snop  }
0x3c: {  	p2 =	seq.s32 s10, $0x1;
	s10 =	sld [smem:$0x3FB7]  }
0x3d: {  	_ =	shalt  }
0x3e: {  	_ =	shalt  }
0x3f: {  	_ =	shalt  }
0x40: {  	_ =	shalt  }
0x41: {  	_ =	shalt  }
0x42: {  	_ =	shalt  }
0x43: {  	_ =	shalt  }
0x44: {  	_ =	shalt  }
0x45: {  	_ =	shalt  }
0x46: {  	_ =	shalt  }
0x47: {  	_ =	shalt  }
0x48: {  	_ =	shalt  }
0x49: {  	_ =	shalt  }
0x4a: {  	_ =	shalt  }
0x4b: {  	_ =	shalt  }
0x4c: {  	_ =	shalt  }
0x4d: {  	_ =	shalt  }
0x4e: {  	_ =	shalt  }
0x4f: {  	_ =	shalt  }
0x50: {  	_ =	shalt  }
0x51: {  	_ =	shalt  }
0x52: {  	_ =	shalt  }
0x53: {  	_ =	shalt  }
0x54: {  	_ =	shalt  }
0x55: {  	_ =	shalt  }
0x56: {  	_ =	shalt  }
0x57: {  	_ =	shalt  }
0x58: {  	_ =	shalt  }
0x59: {  	_ =	shalt  }
0x5a: {  	_ =	shalt  }
0x5b: {  	_ =	shalt  }
0x5c: {  	_ =	shalt  }
0x5d: {  	_ =	shalt  }
0x5e: {  	_ =	shalt  }
0x5f: {  	_ =	shalt  }
0x60: {  	_ =	shalt  }
0x61: {  	_ =	shalt  }
0x62: {  	_ =	shalt  }
0x63: {  	_ =	shalt  }
0x64: {  	_ =	shalt  }
0x65: {  	_ =	shalt  }
0x66: {  	_ =	shalt  }
0x67: {  	_ =	shalt  }
0x68: {  	_ =	shalt  }
0x69: {  	_ =	shalt  }
0x6a: {  	_ =	shalt  }
0x6b: {  	_ =	shalt  }
0x6c: {  	_ =	shalt  }
0x6d: {  	_ =	shalt  }
0x6e: {  	_ =	shalt  }
0x6f: {  	_ =	shalt  }
0x70: {  	_ =	shalt  }
0x71: {  	_ =	shalt  }
0x72: {  	_ =	shalt  }
0x73: {  	_ =	shalt  }
0x74: {  	_ =	shalt  }
0x75: {  	_ =	shalt  }
0x76: {  	_ =	shalt  }
0x77: {  	_ =	shalt  }
0x78: {  	_ =	shalt  }
0x79: {  	_ =	shalt  }
0x7a: {  	_ =	shalt  }
0x7b: {  	_ =	shalt  }
0x7c: {  	_ =	shalt  }
0x7d: {  	_ =	shalt  }
0x7e: {  	_ =	shalt  }
0x7f: {  	_ =	shalt  }
0x80: {  	_ =	shalt  }
0x81: {  	_ =	shalt  }
0x82: {  	_ =	shalt  }
0x83: {  	_ =	shalt  }
0x84: {  	_ =	shalt  }
0x85: {  	_ =	shalt  }
0x86: {  	_ =	shalt  }
0x87: {  	_ =	shalt  }
.Lfunc_end0:
.L_simem_size_0:
called_computation_lowered:
.L_overlay_start_0:
0x88: {  	s2 =	sld [smem:$0x3FD9]  }
0x89: {  	s3 =	sld [smem:$0x3FFE];
	_ =	sdelay $0x1  }
0x8a: {  	s1 =	srdreg.scid  }
0x8b: {  	s0 =	sand.u32 $0x1, s1  }
0x8c: {  	s17 =	sshll.u32 s0, $0xA;
	s2 =	sadd.s32 s3, s2  }
0x8d: {  	s2 =	sadd.s32 s2, s17  }
0x8e: {  	[smem:$0x3FC3] =	sst s2  }
0x8f: {  	_ = 	snop  }
0x90: {  	s2 =	sld [smem:$0x3FC8]  }
0x91: {  	s18 =	sld [smem:$0x3FC6]  }
0x92: {  	s4 =	sld [smem:$0x3FC5]  }
0x93: {  	s5 =	sld [smem:$0x3FD0];
	(tm) =	ssettm $0x1  }
0x94: {  	s6 =	sld [smem:$0x3FFB];
	_ =	sdelay $0x3  }
0x95: {  	_ =	strace s6  }
0x96: {  	s6 =	sld [smem:$0x3FFC];
	_ =	sdelay $0x3  }
0x97: {  	_ =	strace s6  }
0x98: {  	s6 =	sld [smem:$0x3FFD];
	_ =	sdelay $0x3  }
0x99: {  	_ =	strace s6  }
0x9a: {  	_ =	strace $0x8FFFFFFF  }
0x9b: {  	s19 =	sld [smem:$0x3FDB];
	_ =	sdelay $0x1  }
0x9c: {  	s7 =	simm.s32 $_scs_section_size  }
0x9d: {  	s8 =	simm.s32 $_size__tile_overlayer_lowered;
	s9 =	simm.s32 $_tile_overlayer_lowered  }
0x9e: {  	s22 =	simm.s32 $0x1BFF;
	s21 =	sshll.u32 s9, $0x1;
	s6 =	sadd.s32 s7, s19  }
0x9f: {  	s10 =	simm.s32 $0x0;
	s20 =	sshll.u32 s8, $0x1;
	s8 =	sadd.s32 s21, s6  }
0xa0: {  	[timem:s10], [sflag:s22] =	dma.local [hbm:s8], s20  }
0xa1: {  	_ =	swait.ge [sflag:s22], s20  }
0xa2: {  	s7 =	ssub.s32 $0x0, s20;
	[sflag:s22] =	ssyncset.done $0x0  }
0xa3: {  	[sflag:s22] =	ssyncadd.s32 s7;
	_ =	sdelay $0x1  }
0xa4: {  	s23 =	simm.s32 $0x1B8B  }
0xa5: {  	_ =	swait.ge [sflag:s23], $0x1  }
0xa6: {  	[sflag:s23] =	ssyncset.done $0x0  }
0xa7: {  	s25 =	simm.s32 $0x1B8E;
	s24 =	sld [smem:$0x3FFE];
	[sflag:s23] =	ssyncadd.s32 $0xFFFFFFFF  }
0xa8: {  	s26 =	simm.s32 $execute0_lowered;
	[smem:$0x3FD2] =	sst s25  }
0xa9: {  	s8 =	sshll.u32 s26, $0x1;
	_ =	strace $0x80000046;
	[dreg:$0x1] =	wrdreg $0xFFFFFFFF  }
0xaa: {  	s28 =	simm.s32 $_size_execute0_lowered;
	s6 =	sadd.s32 s6, s8;
	[dreg:$0x0] =	wrdreg $0x0  }
0xab: {  	s8 =	sshll.u32 s28, $0x1;
	[dreg:$0x2] =	wrdreg s6  }
0xac: {  	[dreg:$0x3] =	wrdreg s8  }
0xad: {  	[dreg:$0x4] =	wrdreg $0xC0  }
0xae: {  	_ =	task [dreg:s10], $0x5FFFF  }
0xaf: {  	[dreg:$0x1] =	wrdreg $0xFFFFFFFF  }
0xb0: {  	[dreg:$0x0] =	wrdreg $0x60  }
0xb1: {  	[dreg:$0x2] =	wrdreg s24  }
0xb2: {  	[dreg:$0x3] =	wrdreg s2  }
0xb3: {  	[dreg:$0x4] =	wrdreg s18  }
0xb4: {  	[dreg:$0x5] =	wrdreg s4  }
0xb5: {  	[dreg:$0x6] =	wrdreg s5  }
0xb6: {  	[dreg:$0x7] =	wrdreg $0x9  }
0xb7: {  	_ =	task.clear_ibuf [dreg:s10], $0x8FFFF;
	_ =	strace $0x90000046  }
0xb8: {  	s29 =	simm.s32 $0x9;
	_ =	strace $0x80000048  }
0xb9: {  	_ =	swait.ge [sflag:s29], $0x1  }
0xba: {  	[sflag:s29] =	ssyncadd.s32 $0xFFFFFFFF  }
0xbb: {  	_ =	strace $0x90000048  }
0xbc: {  	_ =	sfence  }
0xbd: {  	s30 =	sld [smem:$0x0];
	_ =	sdelay $0x2  }
0xbe: {  	s31 =	sshll.u32 s1, $0xD;
	s1 =	sshrl.u32 s1, $0x2  }
0xbf: {  	s3 =	sand.u32 $0x4000, s31;
	s1 =	sadd.s32 s1, s30  }
0xc0: {  	s0 =	sor.u32 s3, s0;
	s1 =	sshll.u32 s1, $0x11  }
0xc1: {  	s0 =	sor.u32 s1, s0  }
0xc2: {  	s0 =	sadd.s32 $0x8F2B, s0  }
0xc3: {  	[sflag:s0] =	ssyncadd.remote.s32 $0x1  }
0xc4: {  	_ =	sfence.sel $0xFFFF  }
0xc5: {  	[dreg:$0x0] =	wrdreg $0xFFFFFFFF;
	(pc) =	sbr.abs _section_cstart, $3  }
0xc6: {  	[dreg:$0x1] =	wrdreg $0xFFFFFFFF  }
0xc7: {  	_ =	task.clear_ibuf [dreg:s10], $0x2FFFF;
	_ =	strace $0x9FFFFFFF  }
0xc8: {  	(tm) =	ssettm $0x7FFFFFFF  }
0xc9: {  	_ =	shalt  }
tec
execute0_lowered:
.L_overlay_start_1:
0x0: {  	(tag) =	ssettag $0x1  }
0x1: {  	v0 =	vimm.s32 $0xEFCDAB89  }
0x2: {  	v1 =	vimm.s32 $0x67452301;
	v2 =	vimm.s32 $0xDCFE98BA;
	v3 =	vimm.s32 $0x54761032  }
0x3: {  	s2 =	rddreg [dreg:$0x0];
	v4 =	vimm.s32 $0xBA98FEDC;
	v5 =	vimm.s32 $0x32107654;
	v6 =	vimm.s32 $0xFEDCBA98  }
0x4: {  	s0 =	rddreg [dreg:$0x1];
	s4 =	srdreg.scid;
	v7 =	vimm.s32 $0x76543210;
	v0 =	vunpack.c.l.s4.s8 v0;
	v1 =	vunpack.c.l.s4.s8 v1  }
0x5: {  	s1 =	stileid.u32;
	s5 =	rddreg [dreg:$0x4];
	s11 =	simm.s32 $0x4;
	v2 =	vunpack.c.l.s4.s8 v2;
	v3 =	vunpack.c.l.s4.s8 v3;
	v4 =	vunpack.c.l.s4.s8 v4  }
0x6: {  	s12 =	simm.s32 $0x11C00;
	s13 =	simm.s32 $0x18000;
	s14 =	simm.s32 $0x18080;
	v5 =	vunpack.c.l.s4.s8 v5;
	v6 =	vunpack.c.l.s4.s8 v6;
	v7 =	vunpack.c.l.s4.s8 v7  }
0x7: {  	s15 =	simm.s32 $0x80;
	s16 =	simm.s32 $0x1C00;
	s17 =	simm.s32 $0x1;
	v0 =	vunpack.c.0.s8.s32 v0;
	v1 =	vunpack.c.0.s8.s32 v1;
	v2 =	vunpack.c.0.s8.s32 v2  }
0x8: {  	s18 =	simm.s32 $0x2;
	s4 =	sand.u32 $0x1, s4;
	s6 =	sshll.u32 s1, $0x1;
	v3 =	vunpack.c.0.s8.s32 v3;
	v4 =	vunpack.c.0.s8.s32 v4;
	v5 =	vunpack.c.0.s8.s32 v5  }
0x9: {  	s19 =	simm.s32 $0x3;
	s20 =	simm.s32 $0x0;
	s8 =	sor.u32 s4, s6;
	v0 =	vcombine.low v1, v0;
	v1 =	vunpack.c.0.s8.s32 v6  }
0xa: {  	s6 =	simm.s32 $0x0;
	s4 =	ssub.s32 $0x2, s4;
	s7 =	smul.u32 $0x380, s8;
	v2 =	vcombine.low v3, v2;
	v3 =	vcombine.low v5, v4;
	v4 =	vunpack.c.0.s8.s32 v7  }
0xb: {  	[smem:$0x7FF] =	sst s6;
	s10 =	sshrl.u32 s4, $0x1;
	s8 =	smul.u32 $0x1900, s8;
	v5 =	vand.u32 $0xF, v1  }
0xc: {  	_ =	strace $0x80000047;
	s31 =	ssub.s32 s4, s10;
	s9 =	sadd.s32 s7, s2;
	v1 =	vand.u32 $0xF, v2;
	v2 =	vand.u32 $0xF, v3;
	v3 =	vcombine.low v5, v4  }
0xd: {  	s7 =	sadd.s32 $0x400, s2;
	s10 =	smax.u32 s31, $0x1;
	s9 =	sadd.s32 $0x1200, s9;
	v0 =	vand.u32 $0xF, v0  }
.LBB2_1:
0xe: {  	[tilespmem:s6], [sflag:$0x4] =	stream.linear.gather [hbm4b:s9+s6], $0x1900, $0x38;
	[tilespmem:$0x18100] =	vst v63  }
0xf: {  	_ =	swait.ge [sflag:s11], $0x1900  }
0x10: {  	[sflag:s11] =	ssyncset.done $0x0  }
0x11: {  	[sflag:s11] =	ssyncadd.s32 $0xFFFFE700  }
0x12: {  	[tilespmem:s12], [sflag:$0x4] =	stream.linear.gather [hbm4b:s7+s6], $0x6400, $0x38;
	[tilespmem:$0x18100] =	vst v63  }
0x13: {  	_ =	swait.ge [sflag:s11], $0x6400  }
0x14: {  	[sflag:s11] =	ssyncset.done $0x0  }
0x15: {  	[sflag:s11] =	ssyncadd.s32 $0xFFFF9C00  }
0x16: {  	s1 =	rddreg [dreg:$0x2]  }
0x17: {  	[tilespmem:s13], [sflag:$0x4] =	stream.linear.gather [hbm4b:s1+s6], $0x80, $0x38;
	[tilespmem:$0x18100] =	vst v63  }
0x18: {  	_ =	swait.ge [sflag:s11], $0x80  }
0x19: {  	[sflag:s11] =	ssyncset.done $0x0  }
0x1a: {  	[sflag:s11] =	ssyncadd.s32 $0xFFFFFF80  }
0x1b: {  	s31 =	rddreg [dreg:$0x3]  }
0x1c: {  	[tilespmem:s14], [sflag:$0x4] =	stream.linear.gather [hbm4b:s31+s6], $0x80, $0x38;
	[tilespmem:$0x18100] =	vst v63  }
0x1d: {  	_ =	swait.ge [sflag:s11], $0x80  }
0x1e: {  	[sflag:s11] =	ssyncset.done $0x0  }
0x1f: {  	[sflag:s11] =	ssyncadd.s32 $0xFFFFFF80  }
0x20: {  	v4 =	vld [tilespmem:$0x18000]  }
0x21: {  	v5 =	vld [tilespmem:$0x18010]  }
0x22: {  	v6 =	vld [tilespmem:$0x18020]  }
0x23: {  	v7 =	vld [tilespmem:$0x18030]  }
0x24: {  	v8 =	vld [tilespmem:$0x18040]  }
0x25: {  	v9 =	vld [tilespmem:$0x18050]  }
0x26: {  	v10 =	vld [tilespmem:$0x18060]  }
0x27: {  	v11 =	vld [tilespmem:$0x18070]  }
0x28: {  	v12 =	vld [tilespmem:$0x18080]  }
0x29: {  	v13 =	vld [tilespmem:$0x18090]  }
0x2a: {  	v14 =	vld [tilespmem:$0x180A0]  }
0x2b: {  	v17 =	vld [tilespmem:$0x180D0]  }
0x2c: {  	v18 =	vld [tilespmem:$0x180E0]  }
0x2d: {  	p0 =	por $0x0, $0x0;
	v15 =	vld [tilespmem:$0x180B0]  }
0x2e: {  	s21 =	simm.s32 $0x0;
	s22 =	simm.s32 $0x0;
	s23 =	simm.s32 $0x0;
	v16 =	vld [tilespmem:$0x180C0]  }
0x2f: {  	v19 =	vld [tilespmem:$0x180F0];
	[tilespmem:s16], [sflag:$0x1] =	stream.indirect.gather [hbm4b:s0+s15], $0x80, s6, s15, $0xb8  }
.LBB2_2:
0x30: {  	s28 =	smov.u32 s23;
	s23 =	sadd.s32 $0x1, s23;
	_ =	swait.ge [sflag:s17], $0x4000  }
0x31: {  	[sflag:s17] =	ssyncset.done $0x0;
	s2 =	sshll.u32 s23, $0xE;
	p1 =	seq.s32 s23, $0x32  }
0x32: {  	s4 =	sshll.u32 s23, $0x7;
	s24 =	sand.u32 $0x1, s28;
	p2 =	slt.u32 s28, $0x2  }
0x33: {  	s2 =	sand.u32 $0x4000, s2;
	s4 =	simm.s32 @p1 $0x0;
	p1 =	sne.s32 @!p2 s24, $0x0  }
0x34: {  	[sflag:s17] =	ssyncadd.s32 $0xFFFFC000;
	s2 =	sor.u32 $0x1C00, s2;
	p3 =	por p1, p2  }
0x35: {  	[tilespmem:s2], [sflag:$0x1] =	stream.indirect.gather [hbm4b:s0+s15], $0x80, s4, s15, $0xb8;
	[tilespmem:$0x18100] =	vst v63  }
0x36: {  	s2 =	simm.s32 @!p3 $0x2  }
0x37: {  	p1 =	seq.s32 s24, $0x1;
	_ =	swait.ge @!p3 [sflag:s2], $0x4000  }
0x38: {  	p2 =	por !p1, p2;
	[sflag:s2] =	ssyncset.done @!p3 $0x0  }
0x39: {  	s4 =	simm.s32 $0x1;
	[sflag:s2] =	ssyncadd.s32 @!p3 $0xFFFFC000;
	s2 =	simm.s32 @!p2 $0x3  }
0x3a: {  	s4 =	simm.s32 @!p0 $0x0;
	_ =	swait.ge @!p2 [sflag:s2], $0x4000  }
0x3b: {  	s29 =	sshll.u32 s4, $0xE;
	[sflag:s2] =	ssyncset.done @!p2 $0x0  }
0x3c: {  	s4 =	sor.u32 $0x1C80, s29;
	[sflag:s2] =	ssyncadd.s32 @!p2 $0xFFFFC000  }
0x3d: {  	v20 =	vld [tilespmem:s4+$0x0]  }
0x3e: {  	s25 =	smulhi.u32 $0x51EB851F, s22;
	v21 =	vld [tilespmem:s4+$0x10]  }
0x3f: {  	v22 =	vld [tilespmem:s4+$0x20]  }
0x40: {  	s26 =	sshrl.u32 s25, $0x6;
	v23 =	vld [tilespmem:s4+$0x30]  }
0x41: {  	s25 =	smul.u32 $0xC8, s26;
	v27 =	vld [tilespmem:s4+$0x40]  }
0x42: {  	v28 =	vld [tilespmem:s4+$0x50]  }
0x43: {  	s25 =	ssub.s32 s22, s25;
	v29 =	vld [tilespmem:s4+$0x60]  }
0x44: {  	s2 =	sadd.s32 $0xFFFFFFFE, s25;
	v30 =	vld [tilespmem:s4+$0x70]  }
0x45: {  	s26 =	smul.u32 $0x6400, s26;
	s30 =	sadd.s32 $0x3, s2;
	v42 =	vld [tilespmem:s4+$0xFFFFFF80]  }
0x46: {  	v46 =	vld [tilespmem:s4+$0xFFFFFF90];
	p2 =	sgt.u32 s30, $0xC7;
	s30 =	simm.s32 $0xFFFF9C80  }
0x47: {  	s26 =	ssub.s32 s21, s26;
	v49 =	vld [tilespmem:s4+$0xFFFFFFA0];
	s30 =	simm.s32 @!p2 $0x80  }
0x48: {  	v60 =	vld [tilespmem:s4+$0xFFFFFFB0];
	s30 =	sadd.s32 s30, s26  }
0x49: {  	v24 =	vld [tilespmem:s30+$0x11C00]  }
0x4a: {  	v25 =	vld [tilespmem:s30+$0x11C10]  }
0x4b: {  	v26 =	vld [tilespmem:s30+$0x11C20]  }
0x4c: {  	v31 =	vld [tilespmem:s30+$0x11C30]  }
0x4d: {  	v32 =	vld [tilespmem:s30+$0x11C40]  }
0x4e: {  	s2 =	sadd.s32 $0x2, s2;
	v33 =	vld [tilespmem:s30+$0x11C50]  }
0x4f: {  	s31 =	smov.u32 s26;
	p2 =	sgt.u32 s2, $0xC7;
	s2 =	sadd.s32 $0xFFFF9C00, s26;
	v34 =	vld [tilespmem:s30+$0x11C60]  }
0x50: {  	s31 =	smov.u32 @p2 s2;
	v35 =	vld [tilespmem:s30+$0x11C70]  }
0x51: {  	v36 =	vld [tilespmem:s31+$0x11C00]  }
0x52: {  	v37 =	vld [tilespmem:s31+$0x11C10]  }
0x53: {  	v38 =	vld [tilespmem:s31+$0x11C20]  }
0x54: {  	v40 =	vld [tilespmem:s31+$0x11C30];
	v39 =	vadd.f32 v24, v20;
	v25 =	vadd.f32 v25, v21  }
0x55: {  	v26 =	vadd.f32 v26, v22;
	v24 =	vadd.f32 v31, v23  }
0x56: {  	v22 =	vadd.f32 v32, v27;
	v23 =	vadd.f32 v33, v28  }
0x57: {  	v21 =	vadd.f32 v34, v29;
	v20 =	vadd.f32 v35, v30  }
0x58: {  	v36 =	vadd.f32 v36, v42;
	v37 =	vadd.f32 v37, v46  }
0x59: {  	v38 =	vadd.f32 v38, v49;
	v40 =	vadd.f32 v40, v60  }
0x5a: {  	v62 =	vld [tilespmem:s4+$0xFFFFFFC0];
	v29 =	vadd.f32 v25, v39;
	v30 =	vadd.f32 v24, v26  }
0x5b: {  	v50 =	vld [tilespmem:s4+$0xFFFFFFD0];
	v55 =	vmul.f32 v39, v39;
	v57 =	vadd.f32 v23, v22;
	v58 =	vmul.f32 v25, v25  }
0x5c: {  	v31 =	vld [tilespmem:s31+$0x11C40];
	v41 =	vmul.f32 v26, v26;
	v43 =	vadd.f32 v20, v21;
	v44 =	vmul.f32 v24, v24  }
0x5d: {  	v27 =	vld [tilespmem:s31+$0x11C50];
	v45 =	vmul.f32 v22, v22;
	v47 =	vmul.f32 v23, v23;
	v42 =	vadd.f32 v37, v36  }
0x5e: {  	v48 =	vmul.f32 v21, v21;
	v52 =	vadd.f32 v40, v38;
	v29 =	vadd.f32 v30, v29  }
0x5f: {  	v59 =	vmul.f32 v20, v20;
	v30 =	vadd.f32 v43, v57;
	v32 =	vadd.f32 v58, v55  }
0x60: {  	v51 =	vld [tilespmem:s4+$0xFFFFFFF0];
	v61 =	vadd.f32 v44, v41;
	v63 =	vadd.f32 v47, v45  }
0x61: {  	v56 =	vld [tilespmem:s31+$0x11C70];
	v34 =	vadd.f32 v59, v48;
	v31 =	vadd.f32 v31, v62  }
0x62: {  	v28 =	vld [tilespmem:s31+$0x11C60];
	v27 =	vadd.f32 v27, v50;
	v29 =	vadd.f32 v30, v29  }
0x63: {  	v53 =	vmul.f32 v36, v36;
	v30 =	vld [tilespmem:s4+$0xFFFFFFE0];
	v32 =	vadd.f32 v61, v32;
	v34 =	vadd.f32 v34, v63  }
0x64: {  	v54 =	vmul.f32 v37, v37;
	v41 =	vadd.f32 v52, v42;
	v59 =	vmul.f32 v31, v31  }
0x65: {  	v60 =	vmul.f32 v27, v27;
	v32 =	vadd.f32 v34, v32;
	v63 =	vperm.xlane v29, v0  }
0x66: {  	v33 =	vadd.f32 v54, v53;
	v55 =	vadd.f32 v27, v31  }
0x67: {  	v34 =	vadd.f32 v60, v59;
	v29 =	vadd.f32 v29, v63;
	v50 =	vperm.xlane v32, v0  }
0x68: {  	v57 =	vmul.f32 v40, v40;
	v28 =	vadd.f32 v28, v30;
	v30 =	vadd.f32 v56, v51  }
0x69: {  	v56 =	vmul.f32 v38, v38;
	v32 =	vadd.f32 v32, v50;
	v51 =	vperm.xlane v29, v1  }
0x6a: {  	v58 =	vadd.f32 v30, v28;
	v61 =	vmul.f32 v28, v28;
	v62 =	vmul.f32 v30, v30  }
0x6b: {  	v49 =	vadd.f32 v57, v56;
	v29 =	vadd.f32 v29, v51;
	v53 =	vperm.xlane v32, v1  }
0x6c: {  	v35 =	vadd.f32 v58, v55;
	v42 =	vadd.f32 v62, v61  }
0x6d: {  	v33 =	vadd.f32 v49, v33;
	v32 =	vadd.f32 v32, v53;
	v55 =	vperm.xlane v29, v2  }
0x6e: {  	v35 =	vadd.f32 v35, v41;
	v34 =	vadd.f32 v42, v34  }
0x6f: {  	v29 =	vadd.f32 v29, v55;
	v56 =	vperm.xlane v32, v2  }
0x70: {  	v52 =	vperm.xlane v35, v0;
	v33 =	vadd.f32 v34, v33  }
0x71: {  	v32 =	vadd.f32 v32, v56;
	v57 =	vperm.xlane v29, v3  }
0x72: {  	v35 =	vadd.f32 v35, v52;
	v54 =	vperm.xlane v33, v0  }
0x73: {  	v29 =	vadd.f32 v57, v29;
	v58 =	vperm.xlane v32, v3  }
0x74: {  	v42 =	vperm.xlane v35, v1;
	v33 =	vadd.f32 v33, v54  }
0x75: {  	v32 =	vadd.f32 v58, v32;
	v29 =	vmul.f32 $7.812500000e-03, v29  }
0x76: {  	v35 =	vadd.f32 v35, v42;
	v41 =	vperm.xlane v33, v1  }
0x77: {  	v32 =	vmul.f32 $7.812500000e-03, v32;
	v60 =	vmul.f32 v29, v29  }
0x78: {  	s4 =	sadd.s32 $0x100, s4;
	v42 =	vperm.xlane v35, v2;
	v33 =	vadd.f32 v33, v41  }
0x79: {  	s30 =	sadd.s32 $0x0, s25;
	v43 =	vld [tilespmem:s4+$0x20];
	v32 =	vsub.f32 v32, v60  }
0x7a: {  	s1 =	sadd.s32 $0x3, s30;
	v45 =	vld [tilespmem:s4+$0x40];
	v35 =	vadd.f32 v35, v42;
	v41 =	vperm.xlane v33, v2  }
0x7b: {  	p2 =	sgt.u32 s1, $0xC7;
	s31 =	simm.s32 $0xFFFF9C80;
	v47 =	vld [tilespmem:s4+$0x50];
	v32 =	vadd.f32 $9.999999740e-06, v32  }
0x7c: {  	s2 =	sadd.s32 $0x100, s26;
	s31 =	simm.s32 @!p2 $0x80;
	v48 =	vld [tilespmem:s4+$0x60];
	v59 =	vperm.xlane v35, v3;
	v33 =	vadd.f32 v33, v41  }
0x7d: {  	s26 =	sadd.s32 s31, s2;
	v44 =	vld [tilespmem:s4+$0x70];
	v63 =	vshrl.u32 v32, $0x1;
	v32 =	vmul.f32 $5.000000000e-01, v32  }
0x7e: {  	v50 =	vld [tilespmem:s26+$0x11C10];
	v34 =	vadd.f32 v59, v35;
	v61 =	vperm.xlane v33, v3;
	v46 =	vsub.s32 $0x5F3759DF, v63  }
0x7f: {  	v51 =	vld [tilespmem:s26+$0x11C20];
	v39 =	vsub.f32 v39, v29;
	v25 =	vsub.f32 v25, v29;
	v32 =	vmul.f32 v46, v32  }
0x80: {  	v49 =	vld [tilespmem:s26+$0x11C00];
	v57 =	vsub.f32 v26, v29;
	v34 =	vmul.f32 $7.812500000e-03, v34;
	v33 =	vadd.f32 v61, v33  }
0x81: {  	v53 =	vld [tilespmem:s26+$0x11C40];
	v24 =	vsub.f32 v24, v29;
	v58 =	vsub.f32 v22, v29;
	v32 =	vmul.f32 v46, v32  }
0x82: {  	v56 =	vld [tilespmem:s26+$0x11C60];
	v23 =	vsub.f32 v23, v29;
	v62 =	vmul.f32 v34, v34;
	v33 =	vmul.f32 $7.812500000e-03, v33  }
0x83: {  	v54 =	vld [tilespmem:s26+$0x11C50];
	v26 =	vsub.f32 v21, v29;
	v20 =	vsub.f32 v20, v29  }
0x84: {  	v29 =	vld [tilespmem:s26+$0x11C30];
	v32 =	vsub.f32 $1.500000000e+00, v32;
	v33 =	vsub.f32 v33, v62  }
0x85: {  	v42 =	vld [tilespmem:s4+$0x30];
	v36 =	vsub.f32 v36, v34;
	v28 =	vsub.f32 v28, v34  }
0x86: {  	v41 =	vld [tilespmem:s4+$0x10];
	v21 =	vsub.f32 v37, v34;
	v46 =	vmul.f32 v46, v32;
	v33 =	vadd.f32 $9.999999740e-06, v33  }
0x87: {  	v35 =	vld [tilespmem:s4+$0x0];
	v22 =	vsub.f32 v38, v34;
	[tilespmem:$0x1FFE0] =	vst v28;
	v28 =	vsub.f32 v30, v34  }
0x88: {  	v39 =	vmul.f32 v46, v39;
	v52 =	vshrl.u32 v33, $0x1;
	v33 =	vmul.f32 $5.000000000e-01, v33  }
0x89: {  	v40 =	vsub.f32 v40, v34;
	v55 =	vsub.f32 v31, v34;
	v52 =	vsub.s32 $0x5F3759DF, v52  }
0x8a: {  	v27 =	vsub.f32 v27, v34;
	[tilespmem:$0x1FFF0] =	vst v28;
	v39 =	vmul.f32 v39, v4;
	v33 =	vmul.f32 v52, v33  }
0x8b: {  	s30 =	sadd.s32 $0x2, s30;
	v30 =	vadd.f32 v50, v41;
	v34 =	vadd.f32 v54, v47;
	v28 =	vld [tilespmem:s26+$0x11C70]  }
0x8c: {  	p2 =	sgt.u32 s30, $0xC7;
	s30 =	sadd.s32 $0xFFFF9C00, s2;
	s31 =	smov.u32 s2;
	v32 =	vadd.f32 v51, v43;
	v39 =	vadd.f32 v39, v12;
	v31 =	vmul.f32 v52, v33  }
0x8d: {  	s31 =	smov.u32 @p2 s30;
	v63 =	vmul.f32 v34, v34;
	v33 =	vadd.f32 v29, v42;
	v29 =	vadd.f32 v56, v48  }
0x8e: {  	v59 =	vld [tilespmem:s31+$0x11C00];
	v42 =	vmul.f32 v46, v25;
	v60 =	vsub.f32 $1.500000000e+00, v31;
	v31 =	vadd.f32 v49, v35  }
0x8f: {  	v61 =	vld [tilespmem:s31+$0x11C10];
	v49 =	vmul.f32 v46, v20;
	v35 =	vadd.f32 v53, v45;
	v53 =	vmul.f32 v32, v32  }
0x90: {  	v41 =	vld [tilespmem:s31+$0x11C20];
	v20 =	vadd.f32 v28, v44;
	v38 =	vmul.f32 v33, v33;
	v54 =	vmul.f32 v29, v29  }
0x91: {  	v51 =	vld [tilespmem:s31+$0x11C60];
	v47 =	vadd.f32 v33, v32;
	v42 =	vmul.f32 v42, v5;
	v43 =	vmul.f32 v52, v60  }
0x92: {  	v25 =	vld [tilespmem:s31+$0x11C30];
	v28 =	vadd.f32 v30, v31;
	v48 =	vmul.f32 v31, v31;
	v50 =	vadd.f32 v34, v35  }
0x93: {  	v56 =	vld [tilespmem:s31+$0x11C70];
	v52 =	vmul.f32 v30, v30;
	v37 =	vadd.f32 v20, v29;
	v62 =	vmul.f32 v35, v35  }
0x94: {  	v44 =	vld [tilespmem:s31+$0x11C50];
	v53 =	vadd.f32 v38, v53;
	v60 =	vmul.f32 v20, v20;
	v38 =	vmul.f32 v46, v23  }
0x95: {  	v49 =	vmul.f32 v49, v11;
	v42 =	vadd.f32 v42, v13;
	v28 =	vadd.f32 v47, v28;
	v47 =	vld [tilespmem:s4+$0xFFFFFF80]  }
0x96: {  	v50 =	vadd.f32 v37, v50;
	v48 =	vadd.f32 v52, v48;
	v52 =	vld [tilespmem:s4+$0xFFFFFF90];
	v37 =	vmul.f32 v46, v57  }
0x97: {  	v57 =	vmul.f32 v46, v24;
	v24 =	vadd.f32 v63, v62;
	v62 =	vld [tilespmem:s4+$0xFFFFFFA0];
	v23 =	vadd.f32 v60, v54  }
0x98: {  	v63 =	vmul.f32 v46, v58;
	v54 =	vld [tilespmem:s4+$0xFFFFFFB0];
	v46 =	vmul.f32 v46, v26;
	v28 =	vadd.f32 v50, v28  }
0x99: {  	v36 =	vmul.f32 v43, v36;
	v60 =	vld [tilespmem:s4+$0xFFFFFFD0];
	v26 =	vadd.f32 v53, v48;
	v23 =	vadd.f32 v23, v24  }
0x9a: {  	v45 =	vld [tilespmem:s31+$0x11C40];
	v58 =	vmul.f32 v43, v21;
	v40 =	vmul.f32 v43, v40;
	v49 =	vadd.f32 v49, v19  }
0x9b: {  	v50 =	vld [tilespmem:s4+$0xFFFFFFC0];
	v23 =	vadd.f32 v23, v26;
	v21 =	vadd.f32 v61, v52;
	v61 =	vperm.xlane v28, v0  }
0x9c: {  	v55 =	vmul.f32 v43, v55;
	v24 =	vadd.f32 v59, v47;
	v47 =	vld [tilespmem:s4+$0xFFFFFFE0];
	v26 =	vadd.f32 v41, v62  }
0x9d: {  	v53 =	vmul.f32 v43, v22;
	v52 =	vld [tilespmem:s4+$0xFFFFFFF0];
	v22 =	vadd.f32 v25, v54;
	v62 =	vadd.f32 v28, v61  }
0x9e: {  	v38 =	vmul.f32 v38, v9;
	v25 =	vadd.f32 v44, v60;
	v28 =	vperm.xlane v23, v0  }
0x9f: {  	v41 =	vadd.f32 v21, v24;
	v44 =	vadd.f32 v22, v26;
	v60 =	vperm.xlane v62, v1  }
0xa0: {  	v59 =	vmul.f32 v43, v27;
	v27 =	vadd.f32 v45, v50;
	v45 =	vadd.f32 v23, v28  }
0xa1: {  	v50 =	vmul.f32 v24, v24;
	v41 =	vadd.f32 v44, v41;
	v48 =	vadd.f32 v62, v60  }
0xa2: {  	v28 =	vadd.f32 v51, v47;
	v23 =	vadd.f32 v56, v52;
	v61 =	vperm.xlane v45, v1  }
0xa3: {  	v47 =	vmul.f32 v21, v21;
	v52 =	vadd.f32 v25, v27;
	v60 =	vperm.xlane v48, v2  }
0xa4: {  	v62 =	vmul.f32 v26, v26;
	v45 =	vadd.f32 v45, v61;
	v61 =	vmul.f32 v22, v22  }
0xa5: {  	v37 =	vmul.f32 v37, v6;
	v56 =	vadd.f32 v23, v28;
	v48 =	vadd.f32 v48, v60;
	v60 =	vld [tilespmem:$0x1FFE0]  }
0xa6: {  	v46 =	vmul.f32 v46, v10;
	v47 =	vadd.f32 v47, v50;
	v44 =	vadd.f32 v61, v62;
	v61 =	vld [tilespmem:$0x1FFF0]  }
0xa7: {  	v50 =	vmul.f32 v25, v25;
	v52 =	vadd.f32 v56, v52;
	v56 =	vmul.f32 v27, v27  }
0xa8: {  	v38 =	vadd.f32 v38, v17;
	v36 =	vmul.f32 v36, v4;
	v51 =	vmul.f32 v28, v28  }
0xa9: {  	v54 =	vmul.f32 v23, v23;
	v50 =	vadd.f32 v50, v56;
	v56 =	vperm.xlane v45, v2  }
0xaa: {  	v46 =	vadd.f32 v46, v18;
	v62 =	vmul.f32 v57, v7;
	v57 =	vmul.f32 v63, v8  }
0xab: {  	s29 =	sor.u32 $0x9C80, s29;
	v45 =	vadd.f32 v45, v56;
	v60 =	vmul.f32 v43, v60;
	v61 =	vmul.f32 v43, v61  }
0xac: {  	[tilespmem:s29+$0x70] =	vst v49;
	v43 =	vadd.f32 v54, v51;
	v51 =	vadd.f32 v62, v15;
	v62 =	vperm.xlane v48, v3  }
0xad: {  	v49 =	vmul.f32 v53, v6;
	[tilespmem:s29+$0x10] =	vst v42;
	v42 =	vmul.f32 v55, v8;
	v41 =	vadd.f32 v52, v41  }
0xae: {  	v54 =	vadd.f32 v37, v14;
	v63 =	vperm.xlane v45, v3;
	v37 =	vadd.f32 v62, v48  }
0xaf: {  	v44 =	vadd.f32 v44, v47;
	v56 =	vperm.xlane v41, v0;
	v43 =	vadd.f32 v43, v50  }
0xb0: {  	v47 =	vadd.f32 v57, v16;
	v57 =	vadd.f32 v63, v45;
	v37 =	vmul.f32 $7.812500000e-03, v37  }
0xb1: {  	v41 =	vadd.f32 v41, v56;
	v45 =	vmul.f32 v58, v5;
	v43 =	vadd.f32 v43, v44  }
0xb2: {  	v52 =	vadd.f32 v36, v12;
	v36 =	vmul.f32 $7.812500000e-03, v57;
	v58 =	vmul.f32 v37, v37  }
0xb3: {  	v49 =	vadd.f32 v49, v14;
	v50 =	vperm.xlane v41, v1;
	v62 =	vperm.xlane v43, v0  }
0xb4: {  	v42 =	vadd.f32 v42, v16;
	v36 =	vsub.f32 v36, v58  }
0xb5: {  	[tilespmem:s29+$0x0] =	vst v39;
	v39 =	vmul.f32 v59, v9;
	v41 =	vadd.f32 v41, v50;
	v63 =	vadd.f32 v43, v62  }
0xb6: {  	v44 =	vmul.f32 v40, v7;
	v31 =	vsub.f32 v31, v37;
	v36 =	vadd.f32 $9.999999740e-06, v36  }
0xb7: {  	[tilespmem:s29+$0x50] =	vst v38;
	v30 =	vsub.f32 v30, v37;
	v55 =	vperm.xlane v41, v2;
	v43 =	vperm.xlane v63, v1  }
0xb8: {  	[tilespmem:s29+$0x60] =	vst v46;
	v32 =	vsub.f32 v32, v37;
	v56 =	vshrl.u32 v36, $0x1;
	v57 =	vmul.f32 $5.000000000e-01, v36  }
0xb9: {  	[tilespmem:s29+$0xFFFFFF80] =	vst v52;
	v58 =	vadd.f32 v41, v55;
	v43 =	vadd.f32 v63, v43;
	v40 =	vsub.s32 $0x5F3759DF, v56  }
0xba: {  	[tilespmem:s29+$0x40] =	vst v47;
	v33 =	vsub.f32 v33, v37;
	v35 =	vsub.f32 v35, v37;
	v59 =	vmul.f32 v40, v57  }
0xbb: {  	[tilespmem:s29+$0xFFFFFFA0] =	vst v49;
	v41 =	vadd.f32 v44, v15;
	v48 =	vperm.xlane v58, v3;
	v62 =	vperm.xlane v43, v2  }
0xbc: {  	s3 =	sshll.u32 s28, $0x7;
	[tilespmem:s29+$0x30] =	vst v51;
	v36 =	vsub.f32 v34, v37;
	v63 =	vadd.f32 v45, v13;
	v51 =	vmul.f32 v40, v59  }
0xbd: {  	s28 =	sadd.s32 s8, s3;
	[tilespmem:s29+$0x20] =	vst v54;
	v38 =	vmul.f32 v61, v11;
	v45 =	vadd.f32 v48, v58;
	v43 =	vadd.f32 v43, v62  }
0xbe: {  	s30 =	smov.u32 s29;
	s31 =	simm.s32 $0x2;
	s4 =	sadd.s32 $0x100, s4;
	v34 =	vsub.f32 v29, v37;
	v29 =	vmul.f32 v60, v10;
	[tilespmem:s29+$0xFFFFFF90] =	vst v63;
	v44 =	vsub.f32 $1.500000000e+00, v51  }
.LBB2_3:
0xbf: {  	v46 =	vld [tilespmem:s4+$0x0];
	v47 =	vperm.xlane v43, v3;
	v45 =	vmul.f32 $7.812500000e-03, v45;
	[tilespmem:s29+$0xFFFFFFB0] =	vst v41;
	v39 =	vadd.f32 v39, v17  }
0xc0: {  	v20 =	vsub.f32 v20, v37;
	v29 =	vadd.f32 v29, v18;
	v41 =	vld [tilespmem:s4+$0x10];
	v40 =	vmul.f32 v40, v44;
	[tilespmem:s29+$0xFFFFFFC0] =	vst v42  }
0xc1: {  	v42 =	vld [tilespmem:s4+$0x20];
	v43 =	vadd.f32 v47, v43;
	v44 =	vmul.f32 v45, v45;
	v47 =	vsub.f32 v24, v45;
	[tilespmem:s29+$0xFFFFFFD0] =	vst v39  }
0xc2: {  	s26 =	sadd.s32 s31, s25;
	v37 =	vsub.f32 v21, v45;
	v21 =	vsub.f32 v26, v45;
	v39 =	vld [tilespmem:s4+$0x30];
	v20 =	vmul.f32 v40, v20;
	[tilespmem:s29+$0xFFFFFFE0] =	vst v29  }
0xc3: {  	s1 =	sadd.s32 $0x2, s26;
	s26 =	sadd.s32 $0x3, s26;
	v24 =	vsub.f32 v22, v45;
	v26 =	vsub.f32 v27, v45;
	v48 =	vld [tilespmem:s4+$0x40];
	v29 =	vmul.f32 $7.812500000e-03, v43  }
0xc4: {  	p2 =	sgt.u32 s1, $0xC7;
	p3 =	sgt.u32 s26, $0xC7;
	v25 =	vsub.f32 v25, v45;
	v22 =	vsub.f32 v28, v45;
	s1 =	simm.s32 $0xFFFF9C80;
	v27 =	vld [tilespmem:s4+$0x50];
	v20 =	vmul.f32 v20, v11  }
0xc5: {  	s2 =	sadd.s32 $0x100, s2;
	s1 =	simm.s32 @!p3 $0x80;
	v28 =	vld [tilespmem:s4+$0x60];
	v43 =	vsub.f32 v29, v44;
	v29 =	vsub.f32 v23, v45;
	v23 =	vmul.f32 v40, v31  }
0xc6: {  	s3 =	sadd.s32 $0xFFFF9C00, s2;
	s26 =	smov.u32 s2;
	v30 =	vmul.f32 v40, v30;
	s1 =	sadd.s32 s1, s2;
	v31 =	vmul.f32 v40, v32;
	v44 =	vld [tilespmem:s4+$0x70];
	v20 =	vadd.f32 v20, v19  }
0xc7: {  	s26 =	smov.u32 @p2 s3;
	v33 =	vmul.f32 v40, v33;
	v35 =	vmul.f32 v40, v35;
	s29 =	sadd.s32 $0x100, s29;
	v32 =	vld [tilespmem:s1+$0x11C00];
	v43 =	vadd.f32 $9.999999740e-06, v43  }
0xc8: {  	v36 =	vmul.f32 v40, v36;
	v34 =	vmul.f32 v40, v34;
	v45 =	vld [tilespmem:s1+$0x11C10];
	[tilespmem:s29+$0x70] =	vst v20;
	v20 =	vadd.f32 v38, v19  }
0xc9: {  	v23 =	vmul.f32 v23, v4;
	v38 =	vld [tilespmem:s1+$0x11C20];
	v40 =	vshrl.u32 v43, $0x1;
	v43 =	vmul.f32 $5.000000000e-01, v43  }
0xca: {  	v30 =	vmul.f32 v30, v5;
	v31 =	vmul.f32 v31, v6;
	v49 =	vld [tilespmem:s1+$0x11C30];
	v40 =	vsub.s32 $0x5F3759DF, v40;
	[tilespmem:s30+$0xFFFFFFF0] =	vst v20;
	s30 =	smov.u32 s29  }
0xcb: {  	v33 =	vmul.f32 v33, v7;
	v23 =	vadd.f32 v23, v12;
	v20 =	vld [tilespmem:s1+$0x11C40];
	v43 =	vmul.f32 v40, v43  }
0xcc: {  	s31 =	sadd.s32 $0x2, s31;
	v35 =	vmul.f32 v35, v8;
	v36 =	vmul.f32 v36, v9;
	v30 =	vadd.f32 v30, v13;
	v50 =	vld [tilespmem:s1+$0x11C50]  }
0xcd: {  	p2 =	slt.u32 s31, $0x7E;
	v52 =	vmul.f32 v34, v10;
	v51 =	vld [tilespmem:s1+$0x11C60];
	v43 =	vmul.f32 v40, v43;
	[tilespmem:s29+$0x0] =	vst v23;
	v23 =	vadd.f32 v31, v14  }
0xce: {  	v33 =	vadd.f32 v33, v15;
	v34 =	vadd.f32 v35, v16;
	v53 =	vld [tilespmem:s1+$0x11C70];
	[tilespmem:s29+$0x10] =	vst v30  }
0xcf: {  	v54 =	vld [tilespmem:s26+$0x11C00];
	v35 =	vsub.f32 $1.500000000e+00, v43;
	[tilespmem:s29+$0x20] =	vst v23;
	v23 =	vadd.f32 v36, v17  }
0xd0: {  	v31 =	vadd.f32 v32, v46;
	v30 =	vadd.f32 v45, v41;
	v43 =	vld [tilespmem:s26+$0x11C10];
	[tilespmem:s29+$0x30] =	vst v33  }
0xd1: {  	v32 =	vadd.f32 v38, v42;
	v33 =	vadd.f32 v49, v39;
	v41 =	vld [tilespmem:s26+$0x11C20];
	v38 =	vmul.f32 v40, v35;
	[tilespmem:s29+$0x40] =	vst v34  }
0xd2: {  	v35 =	vadd.f32 v20, v48;
	v36 =	vadd.f32 v50, v27;
	v39 =	vld [tilespmem:s26+$0x11C30];
	[tilespmem:s29+$0x50] =	vst v23  }
0xd3: {  	v34 =	vadd.f32 v51, v28;
	v23 =	vld [tilespmem:s26+$0x11C40];
	v20 =	vadd.f32 v53, v44;
	v40 =	vmul.f32 v38, v47  }
0xd4: {  	v27 =	vadd.f32 v30, v31;
	v42 =	vadd.f32 v33, v32;
	v44 =	vmul.f32 v31, v31;
	v28 =	vld [tilespmem:s26+$0x11C50]  }
0xd5: {  	v48 =	vmul.f32 v32, v32;
	v46 =	vadd.f32 v36, v35;
	v47 =	vmul.f32 v30, v30;
	v45 =	vld [tilespmem:s26+$0x11C60]  }
0xd6: {  	v51 =	vmul.f32 v33, v33;
	v53 =	vmul.f32 v35, v35;
	v50 =	vadd.f32 v20, v34;
	v49 =	vld [tilespmem:s26+$0x11C70]  }
0xd7: {  	v52 =	vadd.f32 v52, v18;
	v56 =	vmul.f32 v36, v36;
	v57 =	vmul.f32 v34, v34;
	v55 =	vld [tilespmem:s4+$0xFFFFFF80]  }
0xd8: {  	v27 =	vadd.f32 v42, v27;
	v42 =	vadd.f32 v50, v46;
	v46 =	vmul.f32 v20, v20;
	v58 =	vld [tilespmem:s4+$0xFFFFFF90]  }
0xd9: {  	v37 =	vmul.f32 v38, v37;
	v44 =	vadd.f32 v47, v44;
	v47 =	vadd.f32 v51, v48;
	v50 =	vld [tilespmem:s4+$0xFFFFFFA0];
	[tilespmem:s29+$0x60] =	vst v52  }
0xda: {  	v51 =	vadd.f32 v56, v53;
	v46 =	vadd.f32 v46, v57;
	v52 =	vmul.f32 v38, v21;
	v48 =	vld [tilespmem:s4+$0xFFFFFFB0]  }
0xdb: {  	v56 =	vmul.f32 v38, v24;
	v42 =	vadd.f32 v42, v27;
	v57 =	vmul.f32 v38, v26;
	v53 =	vld [tilespmem:s4+$0xFFFFFFC0]  }
0xdc: {  	v27 =	vadd.f32 v47, v44;
	v44 =	vadd.f32 v46, v51;
	v46 =	vmul.f32 v38, v25;
	v59 =	vld [tilespmem:s4+$0xFFFFFFD0]  }
0xdd: {  	v47 =	vmul.f32 v38, v22;
	v24 =	vadd.f32 v54, v55;
	v21 =	vadd.f32 v43, v58;
	v43 =	vld [tilespmem:s4+$0xFFFFFFE0]  }
0xde: {  	v25 =	vperm.xlane v42, v0;
	v44 =	vadd.f32 v44, v27;
	v26 =	vadd.f32 v41, v50;
	v41 =	vld [tilespmem:s4+$0xFFFFFFF0]  }
0xdf: {  	v22 =	vadd.f32 v39, v48;
	v39 =	vadd.f32 v21, v24;
	v48 =	vmul.f32 v24, v24  }
0xe0: {  	v42 =	vadd.f32 v42, v25;
	v27 =	vadd.f32 v23, v53;
	v23 =	vperm.xlane v44, v0  }
0xe1: {  	v51 =	vmul.f32 v21, v21;
	v25 =	vadd.f32 v28, v59;
	v50 =	vadd.f32 v22, v26  }
0xe2: {  	v28 =	vadd.f32 v45, v43;
	v43 =	vadd.f32 v44, v23;
	v44 =	vperm.xlane v42, v1  }
0xe3: {  	v45 =	vmul.f32 v26, v26;
	v23 =	vadd.f32 v49, v41;
	v41 =	vadd.f32 v25, v27  }
0xe4: {  	v49 =	vmul.f32 v22, v22;
	v42 =	vadd.f32 v42, v44;
	v44 =	vperm.xlane v43, v1  }
0xe5: {  	v54 =	vmul.f32 v27, v27;
	v55 =	vmul.f32 v25, v25;
	v53 =	vadd.f32 v23, v28  }
0xe6: {  	v58 =	vmul.f32 v28, v28;
	v43 =	vadd.f32 v43, v44;
	v44 =	vperm.xlane v42, v2  }
0xe7: {  	v39 =	vadd.f32 v50, v39;
	v50 =	vmul.f32 v23, v23;
	v41 =	vadd.f32 v53, v41  }
0xe8: {  	v48 =	vadd.f32 v51, v48;
	v42 =	vadd.f32 v42, v44;
	v44 =	vperm.xlane v43, v2  }
0xe9: {  	v38 =	vmul.f32 v38, v29;
	v45 =	vadd.f32 v49, v45;
	v49 =	vadd.f32 v55, v54  }
0xea: {  	v29 =	vadd.f32 v50, v58;
	v43 =	vadd.f32 v43, v44;
	v44 =	vperm.xlane v42, v3  }
0xeb: {  	v40 =	vmul.f32 v40, v4;
	v39 =	vadd.f32 v41, v39;
	v41 =	vadd.f32 v45, v48  }
0xec: {  	v29 =	vadd.f32 v29, v49;
	v42 =	vadd.f32 v44, v42;
	v44 =	vperm.xlane v43, v3  }
0xed: {  	v40 =	vadd.f32 v40, v12;
	v48 =	vmul.f32 v37, v5;
	v45 =	vperm.xlane v39, v0  }
0xee: {  	v29 =	vadd.f32 v29, v41;
	v41 =	vadd.f32 v44, v43;
	v37 =	vmul.f32 $7.812500000e-03, v42  }
0xef: {  	v39 =	vadd.f32 v39, v45;
	v42 =	vmul.f32 v52, v6;
	v43 =	vmul.f32 v56, v7;
	[tilespmem:s29+$0xFFFFFF80] =	vst v40  }
0xf0: {  	v40 =	vmul.f32 $7.812500000e-03, v41;
	v41 =	vmul.f32 v37, v37;
	v31 =	vsub.f32 v31, v37  }
0xf1: {  	v44 =	vperm.xlane v29, v0;
	v45 =	vperm.xlane v39, v1;
	v30 =	vsub.f32 v30, v37  }
0xf2: {  	v49 =	vmul.f32 v57, v8;
	v32 =	vsub.f32 v32, v37;
	v40 =	vsub.f32 v40, v41  }
0xf3: {  	v41 =	vadd.f32 v29, v44;
	v44 =	vadd.f32 v39, v45;
	v39 =	vmul.f32 v46, v9  }
0xf4: {  	v33 =	vsub.f32 v33, v37;
	v29 =	vmul.f32 v47, v10;
	v40 =	vadd.f32 $9.999999740e-06, v40  }
0xf5: {  	v35 =	vsub.f32 v35, v37;
	v45 =	vperm.xlane v41, v1;
	v46 =	vperm.xlane v44, v2  }
0xf6: {  	v36 =	vsub.f32 v36, v37;
	v47 =	vshrl.u32 v40, $0x1;
	v50 =	vmul.f32 $5.000000000e-01, v40  }
0xf7: {  	v45 =	vadd.f32 v41, v45;
	v44 =	vadd.f32 v44, v46;
	v40 =	vsub.s32 $0x5F3759DF, v47  }
.Ltmp0:
0xf8: {  	v38 =	vmul.f32 v38, v11;
	v34 =	vsub.f32 v34, v37;
	v41 =	vmul.f32 v40, v50;
	(pc) =	sbr.rel @p2 .LBB2_3-.Ltmp0, $4  }
0xf9: {  	v48 =	vadd.f32 v48, v13;
	v46 =	vperm.xlane v45, v2;
	v47 =	vperm.xlane v44, v3  }
0xfa: {  	v42 =	vadd.f32 v42, v14;
	v50 =	vmul.f32 v40, v41;
	v41 =	vadd.f32 v43, v15  }
0xfb: {  	v43 =	vadd.f32 v45, v46;
	v45 =	vadd.f32 v47, v44;
	[tilespmem:s29+$0xFFFFFF90] =	vst v48  }
0xfc: {  	s4 =	sadd.s32 $0x100, s4;
	v44 =	vsub.f32 $1.500000000e+00, v50;
	[tilespmem:s29+$0xFFFFFFA0] =	vst v42;
	v42 =	vadd.f32 v49, v16  }
0xfd: {  	v46 =	vperm.xlane v43, v3;
	_ =	sdelay $0x1  }
0xfe: {  	v45 =	vmul.f32 $7.812500000e-03, v45;
	v43 =	vadd.f32 v46, v43;
	_ =	sdelay $0x1  }
0xff: {  	v63 =	vmul.f32 v45, v45;
	v43 =	vmul.f32 $7.812500000e-03, v43  }
0x100: {  	v39 =	vadd.f32 v39, v17  }
0x101: {  	v20 =	vsub.f32 v20, v37;
	v43 =	vsub.f32 v43, v63  }
0x102: {  	v29 =	vadd.f32 v29, v18;
	v49 =	vadd.f32 v38, v19  }
0x103: {  	v24 =	vsub.f32 v24, v45;
	v48 =	vadd.f32 $9.999999740e-06, v43  }
0x104: {  	v40 =	vmul.f32 v40, v44;
	v21 =	vsub.f32 v21, v45;
	v26 =	vsub.f32 v26, v45  }
0x105: {  	v22 =	vsub.f32 v22, v45;
	v43 =	vshrl.u32 v48, $0x1;
	v37 =	vmul.f32 $5.000000000e-01, v48  }
0x106: {  	v27 =	vsub.f32 v27, v45;
	v20 =	vmul.f32 v40, v20;
	v43 =	vsub.s32 $0x5F3759DF, v43  }
0x107: {  	v25 =	vsub.f32 v25, v45;
	v31 =	vmul.f32 v40, v31;
	v37 =	vmul.f32 v43, v37  }
0x108: {  	[tilespmem:s29+$0xFFFFFFB0] =	vst v41;
	v28 =	vsub.f32 v28, v45;
	v30 =	vmul.f32 v40, v30;
	v20 =	vmul.f32 v20, v11  }
0x109: {  	[tilespmem:s29+$0xFFFFFFC0] =	vst v42;
	v23 =	vsub.f32 v23, v45;
	v32 =	vmul.f32 v40, v32;
	v37 =	vmul.f32 v43, v37  }
0x10a: {  	[tilespmem:s29+$0xFFFFFFD0] =	vst v39;
	v33 =	vmul.f32 v40, v33;
	v31 =	vmul.f32 v31, v4;
	v20 =	vadd.f32 v20, v19  }
0x10b: {  	s1 =	sadd.s32 $0x100, s29;
	[tilespmem:s29+$0xFFFFFFE0] =	vst v29;
	v35 =	vmul.f32 v40, v35;
	v30 =	vmul.f32 v30, v5;
	v37 =	vsub.f32 $1.500000000e+00, v37  }
0x10c: {  	v36 =	vmul.f32 v40, v36;
	v31 =	vadd.f32 v31, v12;
	[tilespmem:s1+$0x70] =	vst v20;
	v20 =	vmul.f32 v32, v6  }
0x10d: {  	[tilespmem:s30+$0xFFFFFFF0] =	vst v49;
	v50 =	vmul.f32 v33, v7;
	v30 =	vadd.f32 v30, v13;
	v51 =	vmul.f32 v43, v37  }
0x10e: {  	v52 =	vmul.f32 v40, v34;
	v53 =	vmul.f32 v35, v8;
	[tilespmem:s1+$0x0] =	vst v31;
	v20 =	vadd.f32 v20, v14  }
0x10f: {  	v54 =	vmul.f32 v36, v9;
	v29 =	vadd.f32 v50, v15;
	[tilespmem:s1+$0x10] =	vst v30;
	v24 =	vmul.f32 v51, v24  }
0x110: {  	v55 =	vmul.f32 v52, v10;
	v56 =	vadd.f32 v53, v16;
	[tilespmem:s1+$0x20] =	vst v20;
	v20 =	vmul.f32 v51, v21  }
0x111: {  	v57 =	vadd.f32 v54, v17;
	[tilespmem:s1+$0x30] =	vst v29;
	v26 =	vmul.f32 v51, v26;
	v24 =	vmul.f32 v24, v4  }
0x112: {  	v58 =	vadd.f32 v55, v18;
	[tilespmem:s1+$0x40] =	vst v56;
	v22 =	vmul.f32 v51, v22;
	v20 =	vmul.f32 v20, v5  }
0x113: {  	[tilespmem:s1+$0x50] =	vst v57;
	v59 =	vmul.f32 v51, v27;
	v26 =	vmul.f32 v26, v6;
	v24 =	vadd.f32 v24, v12  }
0x114: {  	[tilespmem:s1+$0x60] =	vst v58;
	v25 =	vmul.f32 v51, v25;
	v22 =	vmul.f32 v22, v7;
	v20 =	vadd.f32 v20, v13  }
0x115: {  	v23 =	vmul.f32 v51, v23;
	v21 =	vmul.f32 v59, v8;
	v61 =	vadd.f32 v26, v14;
	[tilespmem:s1+$0xFFFFFF80] =	vst v24  }
0x116: {  	v60 =	vmul.f32 v51, v28;
	v25 =	vmul.f32 v25, v9;
	v22 =	vadd.f32 v22, v15;
	[tilespmem:s1+$0xFFFFFF90] =	vst v20  }
0x117: {  	v23 =	vmul.f32 v23, v11;
	v21 =	vadd.f32 v21, v16;
	[tilespmem:s1+$0xFFFFFFA0] =	vst v61  }
0x118: {  	v62 =	vadd.f32 v25, v17;
	v20 =	vmul.f32 v60, v10;
	[tilespmem:s1+$0xFFFFFFB0] =	vst v22  }
0x119: {  	v63 =	vadd.f32 v23, v19;
	[tilespmem:s1+$0xFFFFFFC0] =	vst v21  }
0x11a: {  	p2 =	sne.s32 s24, $0x0;
	[tilespmem:s1+$0xFFFFFFD0] =	vst v62;
	v20 =	vadd.f32 v20, v18  }
0x11b: {  	s2 =	sshll.u32 @!p2 s28, $0x4;
	[tilespmem:s1+$0xFFFFFFF0] =	vst v63  }
0x11c: {  	s3 =	simm.s32 @!p2 $0x9C00;
	[tilespmem:s1+$0xFFFFFFE0] =	vst v20;
	s1 =	sadd.s32 @!p2 s5, s2;
	s2 =	simm.s32 @!p2 $0x0  }
0x11d: {  	[hbm4b:s1+s2] =	stream.linear.scatter @!p2 [tilespmem:s3], [sflag:$0x2], $0x4000, $0x38;
	[tilespmem:$0x18100] =	vst v63  }
0x11e: {  	s1 =	sshll.u32 @p1 s28, $0x4  }
0x11f: {  	s2 =	simm.s32 @p1 $0x0;
	s3 =	simm.s32 @p1 $0xDC00;
	s1 =	sadd.s32 @p1 s5, s1  }
0x120: {  	[hbm4b:s1+s2] =	stream.linear.scatter @p1 [tilespmem:s3], [sflag:$0x3], $0x4000, $0x38;
	[tilespmem:$0x18100] =	vst v63  }
0x121: {  	p1 =	sne.s32 s23, $0x32  }
.Ltmp1:
0x122: {  	_ = 	snop;
	(pc) =	sbr.rel @p1 .LBB2_2-.Ltmp1, $2  }
0x123: {  	_ =	sdelay $0x2  }
0x124: {  	s22 =	sadd.s32 $0x80, s22;
	s21 =	sadd.s32 $0x4000, s21;
	p0 =	por !p0, !p0  }
0x125: {  	_ =	swait.ge [sflag:s17], $0x4000  }
0x126: {  	[sflag:s17] =	ssyncset.done $0x0  }
0x127: {  	s20 =	sadd.s32 $0x1, s20;
	[sflag:s17] =	ssyncadd.s32 $0xFFFFC000  }
0x128: {  	p0 =	sne.s32 s20, s10;
	_ =	swait.ge [sflag:s18], $0x4000  }
.Ltmp2:
0x129: {  	[sflag:s18] =	ssyncset.done $0x0;
	(pc) =	sbr.rel @p0 .LBB2_1-.Ltmp2, $4  }
0x12a: {  	[sflag:s18] =	ssyncadd.s32 $0xFFFFC000  }
0x12b: {  	_ =	swait.ge [sflag:s19], $0x4000  }
0x12c: {  	[sflag:s19] =	ssyncset.done $0x0  }
0x12d: {  	[sflag:s19] =	ssyncadd.s32 $0xFFFFC000  }
0x12e: {  	_ =	sfence.sel $0x180000  }
0x12f: {  	[bflag:$0x0] =	sbarrier.arrive $0xFFFF  }
0x130: {  	_ =	strace $0x90000047  }
0x131: {  	s0 =	stileid.u32;
	[bflag:$0x2] =	sbarrier.arrive $0xFFFF  }
0x132: {  	p0 =	sne.s32 s0, $0x0;
	s0 =	rddreg [dreg:$0x5]  }
0x133: {  	s0 =	sadd.s32 @!p0 $0x100000, s0  }
0x134: {  	[sflag:s0] =	ssyncadd.tile.s32 @!p0 $0x1;
	_ =	shalt  }
.Lfunc_end2:
_tile_overlayer_lowered:
.L_overlay_start_2:
0x135: {  	(tag) =	ssettag $0x2  }
0x136: {  	s0 =	rddreg [dreg:$0x0];
	s2 =	stileid.u32  }
0x137: {  	s1 =	rddreg [dreg:$0x1];
	p0 =	sne.s32 s2, $0x0  }
0x138: {  	s3 =	rddreg [dreg:$0x2];
	[bflag:$0x3] =	sbarrier.arrive $0xFFFF;
	s2 =	simm.s32 @!p0 $0x1C04  }
0x139: {  	[timem:s3], [sflag:s2] =	dma.local @!p0 [hbm:s0], s1  }
0x13a: {  	s0 =	simm.s32 @!p0 $0x4  }
0x13b: {  	_ =	swait.ge @!p0 [sflag:s0], s1  }
0x13c: {  	s1 =	ssub.s32 @!p0 $0x0, s1;
	[sflag:s0] =	ssyncset.done @!p0 $0x0  }
0x13d: {  	[sflag:s0] =	ssyncadd.s32 @!p0 s1  }
0x13e: {  	[bflag:$0x3] =	sbarrier.arrive $0xFFFF  }
0x13f: {  	_ =	shalt  }

</sc_bundles>
